<compile_context>
chip_gen: v7x
topology: tpu7x:2x2x1
jax: 0.10.2.dev20260603
libtpu: 0.0.44.dev20260713+nightly
codegen_flags: <defaults>
</compile_context>

<pallas_src>
import functools

import jax
import jax.numpy as jnp
from jax import lax
from jax.experimental import pallas as pl
from jax.experimental.pallas import tpu as pltpu
from jax.experimental.pallas import tpu_sc as plsc

NC = 2
NS = 16
CHUNK = 128


def _make_agg(n_nodes, d, cpt, half):
  acc_rows = ((half + CHUNK + 8 * NS - 1) // (8 * NS)) * (8 * NS)
  zr = acc_rows // NS
  orows = half // NS

  mesh = plsc.VectorSubcoreMesh(core_axis_name="c", subcore_axis_name="s")

  @functools.partial(
      pl.kernel,
      out_type=jax.ShapeDtypeStruct((NC * half, d), jnp.float32),
      mesh=mesh,
      scratch_types=[
          pltpu.VMEM((cpt, CHUNK), jnp.int32),
          pltpu.VMEM((cpt, CHUNK), jnp.int32),
          pltpu.VMEM((2, CHUNK, d), jnp.float32),
          pltpu.VMEM_SHARED((acc_rows, d), jnp.float32),
          pltpu.SemaphoreType.DMA,
          pltpu.SemaphoreType.DMA,
          pltpu.SemaphoreType.DMA,
          pltpu.SemaphoreType.DMA,
      ],
  )
  def agg(y_hbm, src_hbm, dst_hbm, zeros_hbm, out_hbm,
          sidx, didx, rows, acc, gsem0, gsem1, ssem0, ssem1):
    c = lax.axis_index("c")
    s = lax.axis_index("s")

    cp1 = pltpu.make_async_copy(src_hbm.at[s], sidx, gsem0)
    cp2 = pltpu.make_async_copy(dst_hbm.at[c].at[s], didx, gsem1)
    cp3 = pltpu.make_async_copy(zeros_hbm, acc.at[pl.ds(s * zr, zr)], ssem0)
    cp1.start()
    cp2.start()
    cp3.start()
    cp1.wait()
    cp2.wait()
    cp3.wait()
    plsc.subcore_barrier()

    gsems = (gsem0, gsem1)
    ssems = (ssem0, ssem1)

    def wait_gather(j, b):
      pltpu.make_async_copy(y_hbm.at[sidx.at[j]], rows.at[b],
                            gsems[b]).wait()

    def start_gather(j, b):
      pltpu.async_copy(y_hbm.at[sidx.at[j]], rows.at[b], gsems[b])

    def start_scat(j, b):
      pltpu.make_async_copy(rows.at[b], acc.at[didx.at[j]],
                            ssems[b]).start(add=True)

    def wait_scat(j, b):
      pltpu.make_async_copy(rows.at[b], acc.at[didx.at[j]], ssems[b]).wait()

    assert cpt >= 3 and cpt % 2 == 1
    start_gather(0, 0)
    wait_gather(0, 0)
    start_scat(0, 0)
    start_gather(1, 1)

    def body(jj, _):
      for b, dj in ((1, 1), (0, 2)):
        j = jj * 2 + dj
        nb = (b + 1) % 2
        wait_gather(j, b)
        start_scat(j, b)
        wait_scat(j - 1, nb)
        start_gather(j + 1, nb)
      return 0

    lax.fori_loop(0, (cpt - 2) // 2, body, 0)
    j = cpt - 2
    wait_gather(j, 1)
    start_scat(j, 1)
    wait_scat(j - 1, 0)
    start_gather(j + 1, 0)
    last = cpt - 1
    wait_gather(last, 0)
    start_scat(last, 0)
    wait_scat(last - 1, 1)
    wait_scat(last, 0)

    plsc.subcore_barrier()
    pltpu.sync_copy(acc.at[pl.ds(s * orows, orows)],
                    out_hbm.at[pl.ds(c * half + s * orows, orows)])

  return agg


def _mm_body(x_ref, w_ref, o_ref):
  o_ref[...] = jnp.dot(x_ref[...], w_ref[...],
                       preferred_element_type=jnp.float32)


def _fuse_body(p_ref, b_ref, w_ref, o_ref):
  h = jnp.maximum(p_ref[...] + b_ref[...], 0.0)
  o_ref[...] = jnp.dot(h, w_ref[...], preferred_element_type=jnp.float32)


def _sum_body(p_ref, b_ref, o_ref):
  o_ref[...] = p_ref[...] + b_ref[...]


def kernel(features, edge_index, W1, b1, W2, b2):
  n, d_in = features.shape
  d_hid = W1.shape[1]
  d_out = W2.shape[1]
  e = edge_index.shape[1]

  half = ((n + 1 + NC * 8 * NS - 1) // (NC * 8 * NS)) * (8 * NS)

  src = edge_index[0].astype(jnp.int32)
  dst = edge_index[1].astype(jnp.int32)
  cpt = -(-e // (NS * CHUNK))
  e_pad = cpt * NS * CHUNK
  if e_pad != e:
    src = jnp.concatenate([src, jnp.zeros((e_pad - e,), jnp.int32)])
    dst = jnp.concatenate([dst, jnp.full((e_pad - e,), n, jnp.int32)])

  base = jnp.arange(NC, dtype=jnp.int32)[:, None] * half
  loc = dst[None, :] - base
  inr = (loc >= 0) & (loc < half)
  dummy = half + (jnp.arange(e_pad, dtype=jnp.int32) % CHUNK)[None, :]
  loc = jnp.where(inr, loc, dummy)
  dst4 = loc.reshape(NC, NS, cpt, CHUNK)
  src3 = src.reshape(NS, cpt, CHUNK)

  acc_rows = ((half + CHUNK + 8 * NS - 1) // (8 * NS)) * (8 * NS)
  zeros = jnp.zeros((acc_rows // NS, d_hid), jnp.float32)
  b1r = b1.reshape(1, d_hid)
  b2r = b2.reshape(1, d_out)

  rb = 10000
  grid = (n // rb,)
  x_spec = pl.BlockSpec((rb, d_in), lambda i: (i, 0))
  w_spec = pl.BlockSpec((d_in, d_hid), lambda i: (0, 0))
  p_spec = pl.BlockSpec((rb, d_hid), lambda i: (i, 0))
  b_spec = pl.BlockSpec((1, d_hid), lambda i: (0, 0))
  y_shape = jax.ShapeDtypeStruct((n, d_hid), jnp.float32)

  agg = _make_agg(n, d_hid, cpt, half)

  y1 = pl.pallas_call(
      _mm_body, grid=grid,
      in_specs=[x_spec, w_spec], out_specs=p_spec,
      out_shape=y_shape)(features, W1)
  p1 = agg(y1, src3, dst4, zeros)
  y2 = pl.pallas_call(
      _fuse_body, grid=grid,
      in_specs=[p_spec, b_spec, w_spec], out_specs=p_spec,
      out_shape=y_shape)(p1, b1r, W2)
  p2 = agg(y2, src3, dst4, zeros)
  out = pl.pallas_call(
      _sum_body, grid=grid,
      in_specs=[p_spec, b_spec], out_specs=p_spec,
      out_shape=jax.ShapeDtypeStruct((n, d_out), jnp.float32))(p2, b2r)
  return out

# --- scband reference (transcript-rebuilt; emitter-appended) ---
"""Pipeline reference for scband-gcn-84499186582208 (READ-ONLY COPY).

The authoritative reference and input builder live on the scoring server;
editing this copy changes nothing except your own understanding.
"""

import jax, jax.numpy as jnp
import numpy as np

N_NODES = 10000
N_EDGES = 320000
IN_FEATS = 128
HID_FEATS = 128
OUT_FEATS = 128


def setup_inputs(seed: int = 0) -> dict:
    key = jax.random.key(seed)
    k1, k2, k3, k4, k5, k6 = jax.random.split(key, 6)
    features = jax.random.normal(k1, (N_NODES, IN_FEATS), dtype=jnp.float32)
    edge_index = jax.random.randint(k2, (2, N_EDGES), 0, N_NODES, dtype=jnp.int64)
    # nn.Linear params (Kaiming-uniform-ish init)
    lim1 = 1.0 / np.sqrt(IN_FEATS)
    W1 = jax.random.uniform(k3, (IN_FEATS, HID_FEATS), minval=-lim1, maxval=lim1, dtype=jnp.float32)
    b1 = jax.random.uniform(k4, (HID_FEATS,), minval=-lim1, maxval=lim1, dtype=jnp.float32)
    lim2 = 1.0 / np.sqrt(HID_FEATS)
    W2 = jax.random.uniform(k5, (HID_FEATS, OUT_FEATS), minval=-lim2, maxval=lim2, dtype=jnp.float32)
    b2 = jax.random.uniform(k6, (OUT_FEATS,), minval=-lim2, maxval=lim2, dtype=jnp.float32)
    return {"features": features, "edge_index": edge_index, "W1": W1, "b1": b1, "W2": W2, "b2": b2}


def _graph_conv(edge_index, h, W, b):
    # DGL: copy_u -> sum reduce onto dst, then Linear
    src = edge_index[0]
    dst = edge_index[1]
    msgs = jnp.take(h, src, axis=0)                       # gather  [E, d]
    agg = jax.ops.segment_sum(msgs, dst, num_segments=N_NODES)  # scatter-add [N, d]
    return agg @ W + b


def reference(features, edge_index, W1, b1, W2, b2):
    h = _graph_conv(edge_index, features, W1, b1)
    h = jax.nn.relu(h)
    h = _graph_conv(edge_index, h, W2, b2)
    return h

if __name__ == "__main__":
    import jax
    _d = setup_inputs()
    print(jax.jit(kernel)(*tuple(_d.values())))

</pallas_src>

<mosaic_0001>
#map = affine_map<(d0, d1) -> (0, 0)>
#map1 = affine_map<(d0, d1) -> (0, 0, 0)>
#map2 = affine_map<(d0, d1) -> (0, 0, 0, 0)>
module attributes {stable_mosaic.version = 14 : i64} {
  func.func @agg(%arg0: i32, %arg1: i32, %arg2: memref<10000x128xf32, #tpu.memory_space<hbm>>, %arg3: memref<16x157x128xi32, #tpu.memory_space<hbm>>, %arg4: memref<2x16x157x128xi32, #tpu.memory_space<hbm>>, %arg5: memref<328x128xf32, #tpu.memory_space<hbm>>, %arg6: memref<10240x128xf32, #tpu.memory_space<hbm>>, %arg7: memref<157x128xi32, #tpu.memory_space<vmem>>, %arg8: memref<157x128xi32, #tpu.memory_space<vmem>>, %arg9: memref<2x128x128xf32, #tpu.memory_space<vmem>>, %arg10: memref<5248x128xf32, #tpu.memory_space<vmem_shared>>, %arg11: memref<!tpu.dma_semaphore, #tpu.memory_space<semaphore_mem>>, %arg12: memref<!tpu.dma_semaphore, #tpu.memory_space<semaphore_mem>>, %arg13: memref<!tpu.dma_semaphore, #tpu.memory_space<semaphore_mem>>, %arg14: memref<!tpu.dma_semaphore, #tpu.memory_space<semaphore_mem>>) attributes {dimension_semantics = [#tpu.dimension_semantics<core_parallel>, #tpu.dimension_semantics<subcore_parallel>], iteration_bounds = array<i64: 2, 16>, scalar_prefetch = 0 : i64, scratch_operands = 8 : i64, tpu.core_type = #tpu.core_type<sc_vector_subcore>, window_params = [{transform_indices = #map}, {transform_indices = #map1}, {transform_indices = #map2}, {transform_indices = #map}, {transform_indices = #map}]} {
    %mul3A = arith.constant 328 : i32
    %mul3A_0 = arith.muli %arg1, %mul3A : i32
    %dma_start3A = arith.constant 0 : i32
    %dma_start3A_1 = arith.constant 0 : i32
    %dma_start3A_2 = tpu.memref_slice %arg3[%arg1, %dma_start3A, %dma_start3A_1] : memref<16x157x128xi32, #tpu.memory_space<hbm>> -> memref<1x157x128xi32, #tpu.memory_space<hbm>>
    %dma_start3A_3 = tpu.memref_squeeze %dma_start3A_2 : memref<1x157x128xi32, #tpu.memory_space<hbm>> -> memref<157x128xi32, #tpu.memory_space<hbm>>
    %dma_start3A_4 = arith.constant 0 : i32
    %dma_start3A_5 = arith.constant 0 : i32
    %dma_start3A_6 = tpu.memref_slice %arg3[%arg1, %dma_start3A_4, %dma_start3A_5] : memref<16x157x128xi32, #tpu.memory_space<hbm>> -> memref<1x157x128xi32, #tpu.memory_space<hbm>>
    %dma_start3A_7 = tpu.memref_squeeze %dma_start3A_6 : memref<1x157x128xi32, #tpu.memory_space<hbm>> -> memref<157x128xi32, #tpu.memory_space<hbm>>
    tpu.enqueue_dma source(%dma_start3A_7 : memref<157x128xi32, #tpu.memory_space<hbm>>) target(%arg7 : memref<157x128xi32, #tpu.memory_space<vmem>>) target_semaphore(%arg11 : memref<!tpu.dma_semaphore, #tpu.memory_space<semaphore_mem>>)
    %dma_start3A_8 = arith.constant 0 : i32
    %dma_start3A_9 = arith.constant 0 : i32
    %dma_start3A_10 = arith.constant 0 : i32
    %dma_start3A_11 = tpu.memref_slice %arg4[%arg0, %dma_start3A_8, %dma_start3A_9, %dma_start3A_10] : memref<2x16x157x128xi32, #tpu.memory_space<hbm>> -> memref<1x16x157x128xi32, #tpu.memory_space<hbm>>
    %dma_start3A_12 = tpu.memref_squeeze %dma_start3A_11 : memref<1x16x157x128xi32, #tpu.memory_space<hbm>> -> memref<16x157x128xi32, #tpu.memory_space<hbm>>
    %dma_start3A_13 = arith.constant 0 : i32
    %dma_start3A_14 = arith.constant 0 : i32
    %dma_start3A_15 = tpu.memref_slice %dma_start3A_12[%arg1, %dma_start3A_13, %dma_start3A_14] : memref<16x157x128xi32, #tpu.memory_space<hbm>> -> memref<1x157x128xi32, #tpu.memory_space<hbm>>
    %dma_start3A_16 = tpu.memref_squeeze %dma_start3A_15 : memref<1x157x128xi32, #tpu.memory_space<hbm>> -> memref<157x128xi32, #tpu.memory_space<hbm>>
    %dma_start3A_17 = arith.constant 0 : i32
    %dma_start3A_18 = arith.constant 0 : i32
    %dma_start3A_19 = arith.constant 0 : i32
    %dma_start3A_20 = tpu.memref_slice %arg4[%arg0, %dma_start3A_17, %dma_start3A_18, %dma_start3A_19] : memref<2x16x157x128xi32, #tpu.memory_space<hbm>> -> memref<1x16x157x128xi32, #tpu.memory_space<hbm>>
    %dma_start3A_21 = tpu.memref_squeeze %dma_start3A_20 : memref<1x16x157x128xi32, #tpu.memory_space<hbm>> -> memref<16x157x128xi32, #tpu.memory_space<hbm>>
    %dma_start3A_22 = arith.constant 0 : i32
    %dma_start3A_23 = arith.constant 0 : i32
    %dma_start3A_24 = tpu.memref_slice %dma_start3A_21[%arg1, %dma_start3A_22, %dma_start3A_23] : memref<16x157x128xi32, #tpu.memory_space<hbm>> -> memref<1x157x128xi32, #tpu.memory_space<hbm>>
    %dma_start3A_25 = tpu.memref_squeeze %dma_start3A_24 : memref<1x157x128xi32, #tpu.memory_space<hbm>> -> memref<157x128xi32, #tpu.memory_space<hbm>>
    tpu.enqueue_dma source(%dma_start3A_25 : memref<157x128xi32, #tpu.memory_space<hbm>>) target(%arg8 : memref<157x128xi32, #tpu.memory_space<vmem>>) target_semaphore(%arg12 : memref<!tpu.dma_semaphore, #tpu.memory_space<semaphore_mem>>)
    %dma_start3A_26 = arith.constant 0 : i32
    %dma_start3A_27 = tpu.memref_slice %arg10[%mul3A_0, %dma_start3A_26] : memref<5248x128xf32, #tpu.memory_space<vmem_shared>> -> memref<328x128xf32, #tpu.memory_space<vmem_shared>>
    tpu.enqueue_dma source(%arg5 : memref<328x128xf32, #tpu.memory_space<hbm>>) target(%dma_start3A_27 : memref<328x128xf32, #tpu.memory_space<vmem_shared>>) target_semaphore(%arg13 : memref<!tpu.dma_semaphore, #tpu.memory_space<semaphore_mem>>)
    %dma_wait3A = arith.constant 0 : i32
    %dma_wait3A_28 = arith.constant 0 : i32
    %dma_wait3A_29 = tpu.memref_slice %arg3[%arg1, %dma_wait3A, %dma_wait3A_28] : memref<16x157x128xi32, #tpu.memory_space<hbm>> -> memref<1x157x128xi32, #tpu.memory_space<hbm>>
    %dma_wait3A_30 = tpu.memref_squeeze %dma_wait3A_29 : memref<1x157x128xi32, #tpu.memory_space<hbm>> -> memref<157x128xi32, #tpu.memory_space<hbm>>
    %dma_wait3A_31 = arith.constant 0 : i32
    %dma_wait3A_32 = arith.constant 0 : i32
    %dma_wait3A_33 = tpu.memref_slice %arg3[%arg1, %dma_wait3A_31, %dma_wait3A_32] : memref<16x157x128xi32, #tpu.memory_space<hbm>> -> memref<1x157x128xi32, #tpu.memory_space<hbm>>
    %dma_wait3A_34 = tpu.memref_squeeze %dma_wait3A_33 : memref<1x157x128xi32, #tpu.memory_space<hbm>> -> memref<157x128xi32, #tpu.memory_space<hbm>>
    tpu.wait_dma2 semaphore(%arg11 : memref<!tpu.dma_semaphore, #tpu.memory_space<semaphore_mem>>) src(%dma_wait3A_34 : memref<157x128xi32, #tpu.memory_space<hbm>>) dst(%arg7 : memref<157x128xi32, #tpu.memory_space<vmem>>)
    %dma_wait3A_35 = arith.constant 0 : i32
    %dma_wait3A_36 = arith.constant 0 : i32
    %dma_wait3A_37 = arith.constant 0 : i32
    %dma_wait3A_38 = tpu.memref_slice %arg4[%arg0, %dma_wait3A_35, %dma_wait3A_36, %dma_wait3A_37] : memref<2x16x157x128xi32, #tpu.memory_space<hbm>> -> memref<1x16x157x128xi32, #tpu.memory_space<hbm>>
    %dma_wait3A_39 = tpu.memref_squeeze %dma_wait3A_38 : memref<1x16x157x128xi32, #tpu.memory_space<hbm>> -> memref<16x157x128xi32, #tpu.memory_space<hbm>>
    %dma_wait3A_40 = arith.constant 0 : i32
    %dma_wait3A_41 = arith.constant 0 : i32
    %dma_wait3A_42 = tpu.memref_slice %dma_wait3A_39[%arg1, %dma_wait3A_40, %dma_wait3A_41] : memref<16x157x128xi32, #tpu.memory_space<hbm>> -> memref<1x157x128xi32, #tpu.memory_space<hbm>>
    %dma_wait3A_43 = tpu.memref_squeeze %dma_wait3A_42 : memref<1x157x128xi32, #tpu.memory_space<hbm>> -> memref<157x128xi32, #tpu.memory_space<hbm>>
    %dma_wait3A_44 = arith.constant 0 : i32
    %dma_wait3A_45 = arith.constant 0 : i32
    %dma_wait3A_46 = arith.constant 0 : i32
    %dma_wait3A_47 = tpu.memref_slice %arg4[%arg0, %dma_wait3A_44, %dma_wait3A_45, %dma_wait3A_46] : memref<2x16x157x128xi32, #tpu.memory_space<hbm>> -> memref<1x16x157x128xi32, #tpu.memory_space<hbm>>
    %dma_wait3A_48 = tpu.memref_squeeze %dma_wait3A_47 : memref<1x16x157x128xi32, #tpu.memory_space<hbm>> -> memref<16x157x128xi32, #tpu.memory_space<hbm>>
    %dma_wait3A_49 = arith.constant 0 : i32
    %dma_wait3A_50 = arith.constant 0 : i32
    %dma_wait3A_51 = tpu.memref_slice %dma_wait3A_48[%arg1, %dma_wait3A_49, %dma_wait3A_50] : memref<16x157x128xi32, #tpu.memory_space<hbm>> -> memref<1x157x128xi32, #tpu.memory_space<hbm>>
    %dma_wait3A_52 = tpu.memref_squeeze %dma_wait3A_51 : memref<1x157x128xi32, #tpu.memory_space<hbm>> -> memref<157x128xi32, #tpu.memory_space<hbm>>
    tpu.wait_dma2 semaphore(%arg12 : memref<!tpu.dma_semaphore, #tpu.memory_space<semaphore_mem>>) src(%dma_wait3A_52 : memref<157x128xi32, #tpu.memory_space<hbm>>) dst(%arg8 : memref<157x128xi32, #tpu.memory_space<vmem>>)
    %dma_wait3A_53 = arith.constant 0 : i32
    %dma_wait3A_54 = tpu.memref_slice %arg10[%mul3A_0, %dma_wait3A_53] : memref<5248x128xf32, #tpu.memory_space<vmem_shared>> -> memref<328x128xf32, #tpu.memory_space<vmem_shared>>
    tpu.wait_dma2 semaphore(%arg13 : memref<!tpu.dma_semaphore, #tpu.memory_space<semaphore_mem>>) src(%arg5 : memref<328x128xf32, #tpu.memory_space<hbm>>) dst(%dma_wait3A_54 : memref<328x128xf32, #tpu.memory_space<vmem_shared>>)
    %barrier3A = arith.constant 0 : index
    tpu.barrier barrier_id(%barrier3A)
    %dma_start3A_55 = arith.constant 0 : i32
    %dma_start3A_56 = arith.constant 0 : i32
    %dma_start3A_57 = arith.constant 0 : i32
    %dma_start3A_58 = arith.constant 0 : i32
    %dma_start3A_59 = tpu.memref_slice %arg9[%dma_start3A_56, %dma_start3A_57, %dma_start3A_58] : memref<2x128x128xf32, #tpu.memory_space<vmem>> -> memref<1x128x128xf32, #tpu.memory_space<vmem>>
    %dma_start3A_60 = tpu.memref_squeeze %dma_start3A_59 : memref<1x128x128xf32, #tpu.memory_space<vmem>> -> memref<128x128xf32, #tpu.memory_space<vmem>>
    %dma_start3A_61 = arith.constant 0 : i32
    %dma_start3A_62 = tpu.memref_slice %arg7[%dma_start3A_55, %dma_start3A_61] : memref<157x128xi32, #tpu.memory_space<vmem>> -> memref<1x128xi32, #tpu.memory_space<vmem>>
    %dma_start3A_63 = tpu.memref_squeeze %dma_start3A_62 : memref<1x128xi32, #tpu.memory_space<vmem>> -> memref<128xi32, #tpu.memory_space<vmem>>
    %dma_start3A_64 = arith.constant 0 : i32
    %dma_start3A_65 = arith.constant 0 : i32
    %dma_start3A_66 = tpu.memref_slice %arg2[%dma_start3A_64, %dma_start3A_65] : memref<10000x128xf32, #tpu.memory_space<hbm>> -> memref<10000x128xf32, #tpu.memory_space<hbm>>
    tpu.enqueue_indirect_dma source(%dma_start3A_66 : memref<10000x128xf32, #tpu.memory_space<hbm>>) target(%dma_start3A_60 : memref<128x128xf32, #tpu.memory_space<vmem>>) offsets(%dma_start3A_63 : memref<128xi32, #tpu.memory_space<vmem>>) semaphore(%arg11 : memref<!tpu.dma_semaphore, #tpu.memory_space<semaphore_mem>>)
    %dma_wait3A_67 = arith.constant 0 : i32
    %dma_wait3A_68 = arith.constant 0 : i32
    %dma_wait3A_69 = arith.constant 0 : i32
    %dma_wait3A_70 = arith.constant 0 : i32
    %dma_wait3A_71 = tpu.memref_slice %arg9[%dma_wait3A_68, %dma_wait3A_69, %dma_wait3A_70] : memref<2x128x128xf32, #tpu.memory_space<vmem>> -> memref<1x128x128xf32, #tpu.memory_space<vmem>>
    %dma_wait3A_72 = tpu.memref_squeeze %dma_wait3A_71 : memref<1x128x128xf32, #tpu.memory_space<vmem>> -> memref<128x128xf32, #tpu.memory_space<vmem>>
    %dma_wait3A_73 = arith.constant 0 : i32
    %dma_wait3A_74 = tpu.memref_slice %arg7[%dma_wait3A_67, %dma_wait3A_73] : memref<157x128xi32, #tpu.memory_space<vmem>> -> memref<1x128xi32, #tpu.memory_space<vmem>>
    %dma_wait3A_75 = tpu.memref_squeeze %dma_wait3A_74 : memref<1x128xi32, #tpu.memory_space<vmem>> -> memref<128xi32, #tpu.memory_space<vmem>>
    %dma_wait3A_76 = arith.constant 0 : i32
    %dma_wait3A_77 = arith.constant 0 : i32
    %dma_wait3A_78 = tpu.memref_slice %arg2[%dma_wait3A_76, %dma_wait3A_77] : memref<10000x128xf32, #tpu.memory_space<hbm>> -> memref<10000x128xf32, #tpu.memory_space<hbm>>
    tpu.wait_indirect_dma semaphore(%arg11 : memref<!tpu.dma_semaphore, #tpu.memory_space<semaphore_mem>>) src(%dma_wait3A_78 : memref<10000x128xf32, #tpu.memory_space<hbm>>) dst(%dma_wait3A_72 : memref<128x128xf32, #tpu.memory_space<vmem>>)
    %dma_start3A_79 = arith.constant 0 : i32
    %dma_start3A_80 = arith.constant 0 : i32
    %dma_start3A_81 = arith.constant 0 : i32
    %dma_start3A_82 = arith.constant 0 : i32
    %dma_start3A_83 = tpu.memref_slice %arg9[%dma_start3A_79, %dma_start3A_81, %dma_start3A_82] : memref<2x128x128xf32, #tpu.memory_space<vmem>> -> memref<1x128x128xf32, #tpu.memory_space<vmem>>
    %dma_start3A_84 = tpu.memref_squeeze %dma_start3A_83 : memref<1x128x128xf32, #tpu.memory_space<vmem>> -> memref<128x128xf32, #tpu.memory_space<vmem>>
    %dma_start3A_85 = arith.constant 0 : i32
    %dma_start3A_86 = tpu.memref_slice %arg8[%dma_start3A_80, %dma_start3A_85] : memref<157x128xi32, #tpu.memory_space<vmem>> -> memref<1x128xi32, #tpu.memory_space<vmem>>
    %dma_start3A_87 = tpu.memref_squeeze %dma_start3A_86 : memref<1x128xi32, #tpu.memory_space<vmem>> -> memref<128xi32, #tpu.memory_space<vmem>>
    %dma_start3A_88 = arith.constant 0 : i32
    %dma_start3A_89 = arith.constant 0 : i32
    %dma_start3A_90 = tpu.memref_slice %arg10[%dma_start3A_88, %dma_start3A_89] : memref<5248x128xf32, #tpu.memory_space<vmem_shared>> -> memref<5248x128xf32, #tpu.memory_space<vmem_shared>>
    tpu.enqueue_indirect_dma source(%dma_start3A_84 : memref<128x128xf32, #tpu.memory_space<vmem>>) target(%dma_start3A_90 : memref<5248x128xf32, #tpu.memory_space<vmem_shared>>) offsets(%dma_start3A_87 : memref<128xi32, #tpu.memory_space<vmem>>) semaphore(%arg13 : memref<!tpu.dma_semaphore, #tpu.memory_space<semaphore_mem>>) {add = true}
    %dma_start3A_91 = arith.constant 1 : i32
    %dma_start3A_92 = arith.constant 1 : i32
    %dma_start3A_93 = arith.constant 0 : i32
    %dma_start3A_94 = arith.constant 0 : i32
    %dma_start3A_95 = tpu.memref_slice %arg9[%dma_start3A_92, %dma_start3A_93, %dma_start3A_94] : memref<2x128x128xf32, #tpu.memory_space<vmem>> -> memref<1x128x128xf32, #tpu.memory_space<vmem>>
    %dma_start3A_96 = tpu.memref_squeeze %dma_start3A_95 : memref<1x128x128xf32, #tpu.memory_space<vmem>> -> memref<128x128xf32, #tpu.memory_space<vmem>>
    %dma_start3A_97 = arith.constant 0 : i32
    %dma_start3A_98 = tpu.memref_slice %arg7[%dma_start3A_91, %dma_start3A_97] : memref<157x128xi32, #tpu.memory_space<vmem>> -> memref<1x128xi32, #tpu.memory_space<vmem>>
    %dma_start3A_99 = tpu.memref_squeeze %dma_start3A_98 : memref<1x128xi32, #tpu.memory_space<vmem>> -> memref<128xi32, #tpu.memory_space<vmem>>
    %dma_start3A_100 = arith.constant 0 : i32
    %dma_start3A_101 = arith.constant 0 : i32
    %dma_start3A_102 = tpu.memref_slice %arg2[%dma_start3A_100, %dma_start3A_101] : memref<10000x128xf32, #tpu.memory_space<hbm>> -> memref<10000x128xf32, #tpu.memory_space<hbm>>
    tpu.enqueue_indirect_dma source(%dma_start3A_102 : memref<10000x128xf32, #tpu.memory_space<hbm>>) target(%dma_start3A_96 : memref<128x128xf32, #tpu.memory_space<vmem>>) offsets(%dma_start3A_99 : memref<128xi32, #tpu.memory_space<vmem>>) semaphore(%arg12 : memref<!tpu.dma_semaphore, #tpu.memory_space<semaphore_mem>>)
    %scan3A = arith.constant 0 : i32
    %scan3A_103 = arith.constant 0 : i32
    %scan3A_104 = arith.constant 77 : i32
    %scan3A_105 = arith.addi %scan3A_103, %scan3A_104 : i32
    %scan3A_106 = arith.constant 1 : i32
    %scan3A_107 = scf.for %scan3A_212 = %scan3A_103 to %scan3A_105 step %scan3A_106 iter_args(%scan3A_213 = %scan3A) -> (i32)  : i32 {
      %mul3A_214 = arith.constant 2 : i32
      %mul3A_215 = arith.muli %scan3A_212, %mul3A_214 : i32
      %add3A_216 = arith.constant 1 : i32
      %add3A_217 = arith.addi %mul3A_215, %add3A_216 : i32
      %dma_wait3A_218 = arith.constant 1 : i32
      %dma_wait3A_219 = arith.constant 0 : i32
      %dma_wait3A_220 = arith.constant 0 : i32
      %dma_wait3A_221 = tpu.memref_slice %arg9[%dma_wait3A_218, %dma_wait3A_219, %dma_wait3A_220] : memref<2x128x128xf32, #tpu.memory_space<vmem>> -> memref<1x128x128xf32, #tpu.memory_space<vmem>>
      %dma_wait3A_222 = tpu.memref_squeeze %dma_wait3A_221 : memref<1x128x128xf32, #tpu.memory_space<vmem>> -> memref<128x128xf32, #tpu.memory_space<vmem>>
      %dma_wait3A_223 = arith.constant 0 : i32
      %dma_wait3A_224 = tpu.memref_slice %arg7[%add3A_217, %dma_wait3A_223] : memref<157x128xi32, #tpu.memory_space<vmem>> -> memref<1x128xi32, #tpu.memory_space<vmem>>
      %dma_wait3A_225 = tpu.memref_squeeze %dma_wait3A_224 : memref<1x128xi32, #tpu.memory_space<vmem>> -> memref<128xi32, #tpu.memory_space<vmem>>
      %dma_wait3A_226 = arith.constant 0 : i32
      %dma_wait3A_227 = arith.constant 0 : i32
      %dma_wait3A_228 = tpu.memref_slice %arg2[%dma_wait3A_226, %dma_wait3A_227] : memref<10000x128xf32, #tpu.memory_space<hbm>> -> memref<10000x128xf32, #tpu.memory_space<hbm>>
      tpu.wait_indirect_dma semaphore(%arg12 : memref<!tpu.dma_semaphore, #tpu.memory_space<semaphore_mem>>) src(%dma_wait3A_228 : memref<10000x128xf32, #tpu.memory_space<hbm>>) dst(%dma_wait3A_222 : memref<128x128xf32, #tpu.memory_space<vmem>>)
      %dma_start3A_229 = arith.constant 1 : i32
      %dma_start3A_230 = arith.constant 0 : i32
      %dma_start3A_231 = arith.constant 0 : i32
      %dma_start3A_232 = tpu.memref_slice %arg9[%dma_start3A_229, %dma_start3A_230, %dma_start3A_231] : memref<2x128x128xf32, #tpu.memory_space<vmem>> -> memref<1x128x128xf32, #tpu.memory_space<vmem>>
      %dma_start3A_233 = tpu.memref_squeeze %dma_start3A_232 : memref<1x128x128xf32, #tpu.memory_space<vmem>> -> memref<128x128xf32, #tpu.memory_space<vmem>>
      %dma_start3A_234 = arith.constant 0 : i32
      %dma_start3A_235 = tpu.memref_slice %arg8[%add3A_217, %dma_start3A_234] : memref<157x128xi32, #tpu.memory_space<vmem>> -> memref<1x128xi32, #tpu.memory_space<vmem>>
      %dma_start3A_236 = tpu.memref_squeeze %dma_start3A_235 : memref<1x128xi32, #tpu.memory_space<vmem>> -> memref<128xi32, #tpu.memory_space<vmem>>
      %dma_start3A_237 = arith.constant 0 : i32
      %dma_start3A_238 = arith.constant 0 : i32
      %dma_start3A_239 = tpu.memref_slice %arg10[%dma_start3A_237, %dma_start3A_238] : memref<5248x128xf32, #tpu.memory_space<vmem_shared>> -> memref<5248x128xf32, #tpu.memory_space<vmem_shared>>
      tpu.enqueue_indirect_dma source(%dma_start3A_233 : memref<128x128xf32, #tpu.memory_space<vmem>>) target(%dma_start3A_239 : memref<5248x128xf32, #tpu.memory_space<vmem_shared>>) offsets(%dma_start3A_236 : memref<128xi32, #tpu.memory_space<vmem>>) semaphore(%arg14 : memref<!tpu.dma_semaphore, #tpu.memory_space<semaphore_mem>>) {add = true}
      %sub3A = arith.constant 1 : i32
      %sub3A_240 = arith.subi %add3A_217, %sub3A : i32
      %dma_wait3A_241 = arith.constant 0 : i32
      %dma_wait3A_242 = arith.constant 0 : i32
      %dma_wait3A_243 = arith.constant 0 : i32
      %dma_wait3A_244 = tpu.memref_slice %arg9[%dma_wait3A_241, %dma_wait3A_242, %dma_wait3A_243] : memref<2x128x128xf32, #tpu.memory_space<vmem>> -> memref<1x128x128xf32, #tpu.memory_space<vmem>>
      %dma_wait3A_245 = tpu.memref_squeeze %dma_wait3A_244 : memref<1x128x128xf32, #tpu.memory_space<vmem>> -> memref<128x128xf32, #tpu.memory_space<vmem>>
      %dma_wait3A_246 = arith.constant 0 : i32
      %dma_wait3A_247 = tpu.memref_slice %arg8[%sub3A_240, %dma_wait3A_246] : memref<157x128xi32, #tpu.memory_space<vmem>> -> memref<1x128xi32, #tpu.memory_space<vmem>>
      %dma_wait3A_248 = tpu.memref_squeeze %dma_wait3A_247 : memref<1x128xi32, #tpu.memory_space<vmem>> -> memref<128xi32, #tpu.memory_space<vmem>>
      %dma_wait3A_249 = arith.constant 0 : i32
      %dma_wait3A_250 = arith.constant 0 : i32
      %dma_wait3A_251 = tpu.memref_slice %arg10[%dma_wait3A_249, %dma_wait3A_250] : memref<5248x128xf32, #tpu.memory_space<vmem_shared>> -> memref<5248x128xf32, #tpu.memory_space<vmem_shared>>
      tpu.wait_indirect_dma semaphore(%arg13 : memref<!tpu.dma_semaphore, #tpu.memory_space<semaphore_mem>>) src(%dma_wait3A_245 : memref<128x128xf32, #tpu.memory_space<vmem>>) dst(%dma_wait3A_251 : memref<5248x128xf32, #tpu.memory_space<vmem_shared>>)
      %add3A_252 = arith.constant 1 : i32
      %add3A_253 = arith.addi %add3A_217, %add3A_252 : i32
      %dma_start3A_254 = arith.constant 0 : i32
      %dma_start3A_255 = arith.constant 0 : i32
      %dma_start3A_256 = arith.constant 0 : i32
      %dma_start3A_257 = tpu.memref_slice %arg9[%dma_start3A_254, %dma_start3A_255, %dma_start3A_256] : memref<2x128x128xf32, #tpu.memory_space<vmem>> -> memref<1x128x128xf32, #tpu.memory_space<vmem>>
      %dma_start3A_258 = tpu.memref_squeeze %dma_start3A_257 : memref<1x128x128xf32, #tpu.memory_space<vmem>> -> memref<128x128xf32, #tpu.memory_space<vmem>>
      %dma_start3A_259 = arith.constant 0 : i32
      %dma_start3A_260 = tpu.memref_slice %arg7[%add3A_253, %dma_start3A_259] : memref<157x128xi32, #tpu.memory_space<vmem>> -> memref<1x128xi32, #tpu.memory_space<vmem>>
      %dma_start3A_261 = tpu.memref_squeeze %dma_start3A_260 : memref<1x128xi32, #tpu.memory_space<vmem>> -> memref<128xi32, #tpu.memory_space<vmem>>
      %dma_start3A_262 = arith.constant 0 : i32
      %dma_start3A_263 = arith.constant 0 : i32
      %dma_start3A_264 = tpu.memref_slice %arg2[%dma_start3A_262, %dma_start3A_263] : memref<10000x128xf32, #tpu.memory_space<hbm>> -> memref<10000x128xf32, #tpu.memory_space<hbm>>
      tpu.enqueue_indirect_dma source(%dma_start3A_264 : memref<10000x128xf32, #tpu.memory_space<hbm>>) target(%dma_start3A_258 : memref<128x128xf32, #tpu.memory_space<vmem>>) offsets(%dma_start3A_261 : memref<128xi32, #tpu.memory_space<vmem>>) semaphore(%arg11 : memref<!tpu.dma_semaphore, #tpu.memory_space<semaphore_mem>>)
      %mul3A_265 = arith.constant 2 : i32
      %mul3A_266 = arith.muli %scan3A_212, %mul3A_265 : i32
      %add3A_267 = arith.constant 2 : i32
      %add3A_268 = arith.addi %mul3A_266, %add3A_267 : i32
      %dma_wait3A_269 = arith.constant 0 : i32
      %dma_wait3A_270 = arith.constant 0 : i32
      %dma_wait3A_271 = arith.constant 0 : i32
      %dma_wait3A_272 = tpu.memref_slice %arg9[%dma_wait3A_269, %dma_wait3A_270, %dma_wait3A_271] : memref<2x128x128xf32, #tpu.memory_space<vmem>> -> memref<1x128x128xf32, #tpu.memory_space<vmem>>
      %dma_wait3A_273 = tpu.memref_squeeze %dma_wait3A_272 : memref<1x128x128xf32, #tpu.memory_space<vmem>> -> memref<128x128xf32, #tpu.memory_space<vmem>>
      %dma_wait3A_274 = arith.constant 0 : i32
      %dma_wait3A_275 = tpu.memref_slice %arg7[%add3A_268, %dma_wait3A_274] : memref<157x128xi32, #tpu.memory_space<vmem>> -> memref<1x128xi32, #tpu.memory_space<vmem>>
      %dma_wait3A_276 = tpu.memref_squeeze %dma_wait3A_275 : memref<1x128xi32, #tpu.memory_space<vmem>> -> memref<128xi32, #tpu.memory_space<vmem>>
      %dma_wait3A_277 = arith.constant 0 : i32
      %dma_wait3A_278 = arith.constant 0 : i32
      %dma_wait3A_279 = tpu.memref_slice %arg2[%dma_wait3A_277, %dma_wait3A_278] : memref<10000x128xf32, #tpu.memory_space<hbm>> -> memref<10000x128xf32, #tpu.memory_space<hbm>>
      tpu.wait_indirect_dma semaphore(%arg11 : memref<!tpu.dma_semaphore, #tpu.memory_space<semaphore_mem>>) src(%dma_wait3A_279 : memref<10000x128xf32, #tpu.memory_space<hbm>>) dst(%dma_wait3A_273 : memref<128x128xf32, #tpu.memory_space<vmem>>)
      %dma_start3A_280 = arith.constant 0 : i32
      %dma_start3A_281 = arith.constant 0 : i32
      %dma_start3A_282 = arith.constant 0 : i32
      %dma_start3A_283 = tpu.memref_slice %arg9[%dma_start3A_280, %dma_start3A_281, %dma_start3A_282] : memref<2x128x128xf32, #tpu.memory_space<vmem>> -> memref<1x128x128xf32, #tpu.memory_space<vmem>>
      %dma_start3A_284 = tpu.memref_squeeze %dma_start3A_283 : memref<1x128x128xf32, #tpu.memory_space<vmem>> -> memref<128x128xf32, #tpu.memory_space<vmem>>
      %dma_start3A_285 = arith.constant 0 : i32
      %dma_start3A_286 = tpu.memref_slice %arg8[%add3A_268, %dma_start3A_285] : memref<157x128xi32, #tpu.memory_space<vmem>> -> memref<1x128xi32, #tpu.memory_space<vmem>>
      %dma_start3A_287 = tpu.memref_squeeze %dma_start3A_286 : memref<1x128xi32, #tpu.memory_space<vmem>> -> memref<128xi32, #tpu.memory_space<vmem>>
      %dma_start3A_288 = arith.constant 0 : i32
      %dma_start3A_289 = arith.constant 0 : i32
      %dma_start3A_290 = tpu.memref_slice %arg10[%dma_start3A_288, %dma_start3A_289] : memref<5248x128xf32, #tpu.memory_space<vmem_shared>> -> memref<5248x128xf32, #tpu.memory_space<vmem_shared>>
      tpu.enqueue_indirect_dma source(%dma_start3A_284 : memref<128x128xf32, #tpu.memory_space<vmem>>) target(%dma_start3A_290 : memref<5248x128xf32, #tpu.memory_space<vmem_shared>>) offsets(%dma_start3A_287 : memref<128xi32, #tpu.memory_space<vmem>>) semaphore(%arg13 : memref<!tpu.dma_semaphore, #tpu.memory_space<semaphore_mem>>) {add = true}
      %sub3A_291 = arith.constant 1 : i32
      %sub3A_292 = arith.subi %add3A_268, %sub3A_291 : i32
      %dma_wait3A_293 = arith.constant 1 : i32
      %dma_wait3A_294 = arith.constant 0 : i32
      %dma_wait3A_295 = arith.constant 0 : i32
      %dma_wait3A_296 = tpu.memref_slice %arg9[%dma_wait3A_293, %dma_wait3A_294, %dma_wait3A_295] : memref<2x128x128xf32, #tpu.memory_space<vmem>> -> memref<1x128x128xf32, #tpu.memory_space<vmem>>
      %dma_wait3A_297 = tpu.memref_squeeze %dma_wait3A_296 : memref<1x128x128xf32, #tpu.memory_space<vmem>> -> memref<128x128xf32, #tpu.memory_space<vmem>>
      %dma_wait3A_298 = arith.constant 0 : i32
      %dma_wait3A_299 = tpu.memref_slice %arg8[%sub3A_292, %dma_wait3A_298] : memref<157x128xi32, #tpu.memory_space<vmem>> -> memref<1x128xi32, #tpu.memory_space<vmem>>
      %dma_wait3A_300 = tpu.memref_squeeze %dma_wait3A_299 : memref<1x128xi32, #tpu.memory_space<vmem>> -> memref<128xi32, #tpu.memory_space<vmem>>
      %dma_wait3A_301 = arith.constant 0 : i32
      %dma_wait3A_302 = arith.constant 0 : i32
      %dma_wait3A_303 = tpu.memref_slice %arg10[%dma_wait3A_301, %dma_wait3A_302] : memref<5248x128xf32, #tpu.memory_space<vmem_shared>> -> memref<5248x128xf32, #tpu.memory_space<vmem_shared>>
      tpu.wait_indirect_dma semaphore(%arg14 : memref<!tpu.dma_semaphore, #tpu.memory_space<semaphore_mem>>) src(%dma_wait3A_297 : memref<128x128xf32, #tpu.memory_space<vmem>>) dst(%dma_wait3A_303 : memref<5248x128xf32, #tpu.memory_space<vmem_shared>>)
      %add3A_304 = arith.constant 1 : i32
      %add3A_305 = arith.addi %add3A_268, %add3A_304 : i32
      %dma_start3A_306 = arith.constant 1 : i32
      %dma_start3A_307 = arith.constant 0 : i32
      %dma_start3A_308 = arith.constant 0 : i32
      %dma_start3A_309 = tpu.memref_slice %arg9[%dma_start3A_306, %dma_start3A_307, %dma_start3A_308] : memref<2x128x128xf32, #tpu.memory_space<vmem>> -> memref<1x128x128xf32, #tpu.memory_space<vmem>>
      %dma_start3A_310 = tpu.memref_squeeze %dma_start3A_309 : memref<1x128x128xf32, #tpu.memory_space<vmem>> -> memref<128x128xf32, #tpu.memory_space<vmem>>
      %dma_start3A_311 = arith.constant 0 : i32
      %dma_start3A_312 = tpu.memref_slice %arg7[%add3A_305, %dma_start3A_311] : memref<157x128xi32, #tpu.memory_space<vmem>> -> memref<1x128xi32, #tpu.memory_space<vmem>>
      %dma_start3A_313 = tpu.memref_squeeze %dma_start3A_312 : memref<1x128xi32, #tpu.memory_space<vmem>> -> memref<128xi32, #tpu.memory_space<vmem>>
      %dma_start3A_314 = arith.constant 0 : i32
      %dma_start3A_315 = arith.constant 0 : i32
      %dma_start3A_316 = tpu.memref_slice %arg2[%dma_start3A_314, %dma_start3A_315] : memref<10000x128xf32, #tpu.memory_space<hbm>> -> memref<10000x128xf32, #tpu.memory_space<hbm>>
      tpu.enqueue_indirect_dma source(%dma_start3A_316 : memref<10000x128xf32, #tpu.memory_space<hbm>>) target(%dma_start3A_310 : memref<128x128xf32, #tpu.memory_space<vmem>>) offsets(%dma_start3A_313 : memref<128xi32, #tpu.memory_space<vmem>>) semaphore(%arg12 : memref<!tpu.dma_semaphore, #tpu.memory_space<semaphore_mem>>)
      %scan3A_317 = arith.constant 0 : i32
      scf.yield %scan3A_317 : i32
    }
    %scan3A_108 = arith.constant 77 : i32
    %dma_wait3A_109 = arith.constant 155 : i32
    %dma_wait3A_110 = arith.constant 1 : i32
    %dma_wait3A_111 = arith.constant 0 : i32
    %dma_wait3A_112 = arith.constant 0 : i32
    %dma_wait3A_113 = tpu.memref_slice %arg9[%dma_wait3A_110, %dma_wait3A_111, %dma_wait3A_112] : memref<2x128x128xf32, #tpu.memory_space<vmem>> -> memref<1x128x128xf32, #tpu.memory_space<vmem>>
    %dma_wait3A_114 = tpu.memref_squeeze %dma_wait3A_113 : memref<1x128x128xf32, #tpu.memory_space<vmem>> -> memref<128x128xf32, #tpu.memory_space<vmem>>
    %dma_wait3A_115 = arith.constant 0 : i32
    %dma_wait3A_116 = tpu.memref_slice %arg7[%dma_wait3A_109, %dma_wait3A_115] : memref<157x128xi32, #tpu.memory_space<vmem>> -> memref<1x128xi32, #tpu.memory_space<vmem>>
    %dma_wait3A_117 = tpu.memref_squeeze %dma_wait3A_116 : memref<1x128xi32, #tpu.memory_space<vmem>> -> memref<128xi32, #tpu.memory_space<vmem>>
    %dma_wait3A_118 = arith.constant 0 : i32
    %dma_wait3A_119 = arith.constant 0 : i32
    %dma_wait3A_120 = tpu.memref_slice %arg2[%dma_wait3A_118, %dma_wait3A_119] : memref<10000x128xf32, #tpu.memory_space<hbm>> -> memref<10000x128xf32, #tpu.memory_space<hbm>>
    tpu.wait_indirect_dma semaphore(%arg12 : memref<!tpu.dma_semaphore, #tpu.memory_space<semaphore_mem>>) src(%dma_wait3A_120 : memref<10000x128xf32, #tpu.memory_space<hbm>>) dst(%dma_wait3A_114 : memref<128x128xf32, #tpu.memory_space<vmem>>)
    %dma_start3A_121 = arith.constant 1 : i32
    %dma_start3A_122 = arith.constant 155 : i32
    %dma_start3A_123 = arith.constant 0 : i32
    %dma_start3A_124 = arith.constant 0 : i32
    %dma_start3A_125 = tpu.memref_slice %arg9[%dma_start3A_121, %dma_start3A_123, %dma_start3A_124] : memref<2x128x128xf32, #tpu.memory_space<vmem>> -> memref<1x128x128xf32, #tpu.memory_space<vmem>>
    %dma_start3A_126 = tpu.memref_squeeze %dma_start3A_125 : memref<1x128x128xf32, #tpu.memory_space<vmem>> -> memref<128x128xf32, #tpu.memory_space<vmem>>
    %dma_start3A_127 = arith.constant 0 : i32
    %dma_start3A_128 = tpu.memref_slice %arg8[%dma_start3A_122, %dma_start3A_127] : memref<157x128xi32, #tpu.memory_space<vmem>> -> memref<1x128xi32, #tpu.memory_space<vmem>>
    %dma_start3A_129 = tpu.memref_squeeze %dma_start3A_128 : memref<1x128xi32, #tpu.memory_space<vmem>> -> memref<128xi32, #tpu.memory_space<vmem>>
    %dma_start3A_130 = arith.constant 0 : i32
    %dma_start3A_131 = arith.constant 0 : i32
    %dma_start3A_132 = tpu.memref_slice %arg10[%dma_start3A_130, %dma_start3A_131] : memref<5248x128xf32, #tpu.memory_space<vmem_shared>> -> memref<5248x128xf32, #tpu.memory_space<vmem_shared>>
    tpu.enqueue_indirect_dma source(%dma_start3A_126 : memref<128x128xf32, #tpu.memory_space<vmem>>) target(%dma_start3A_132 : memref<5248x128xf32, #tpu.memory_space<vmem_shared>>) offsets(%dma_start3A_129 : memref<128xi32, #tpu.memory_space<vmem>>) semaphore(%arg14 : memref<!tpu.dma_semaphore, #tpu.memory_space<semaphore_mem>>) {add = true}
    %dma_wait3A_133 = arith.constant 0 : i32
    %dma_wait3A_134 = arith.constant 154 : i32
    %dma_wait3A_135 = arith.constant 0 : i32
    %dma_wait3A_136 = arith.constant 0 : i32
    %dma_wait3A_137 = tpu.memref_slice %arg9[%dma_wait3A_133, %dma_wait3A_135, %dma_wait3A_136] : memref<2x128x128xf32, #tpu.memory_space<vmem>> -> memref<1x128x128xf32, #tpu.memory_space<vmem>>
    %dma_wait3A_138 = tpu.memref_squeeze %dma_wait3A_137 : memref<1x128x128xf32, #tpu.memory_space<vmem>> -> memref<128x128xf32, #tpu.memory_space<vmem>>
    %dma_wait3A_139 = arith.constant 0 : i32
    %dma_wait3A_140 = tpu.memref_slice %arg8[%dma_wait3A_134, %dma_wait3A_139] : memref<157x128xi32, #tpu.memory_space<vmem>> -> memref<1x128xi32, #tpu.memory_space<vmem>>
    %dma_wait3A_141 = tpu.memref_squeeze %dma_wait3A_140 : memref<1x128xi32, #tpu.memory_space<vmem>> -> memref<128xi32, #tpu.memory_space<vmem>>
    %dma_wait3A_142 = arith.constant 0 : i32
    %dma_wait3A_143 = arith.constant 0 : i32
    %dma_wait3A_144 = tpu.memref_slice %arg10[%dma_wait3A_142, %dma_wait3A_143] : memref<5248x128xf32, #tpu.memory_space<vmem_shared>> -> memref<5248x128xf32, #tpu.memory_space<vmem_shared>>
    tpu.wait_indirect_dma semaphore(%arg13 : memref<!tpu.dma_semaphore, #tpu.memory_space<semaphore_mem>>) src(%dma_wait3A_138 : memref<128x128xf32, #tpu.memory_space<vmem>>) dst(%dma_wait3A_144 : memref<5248x128xf32, #tpu.memory_space<vmem_shared>>)
    %dma_start3A_145 = arith.constant 156 : i32
    %dma_start3A_146 = arith.constant 0 : i32
    %dma_start3A_147 = arith.constant 0 : i32
    %dma_start3A_148 = arith.constant 0 : i32
    %dma_start3A_149 = tpu.memref_slice %arg9[%dma_start3A_146, %dma_start3A_147, %dma_start3A_148] : memref<2x128x128xf32, #tpu.memory_space<vmem>> -> memref<1x128x128xf32, #tpu.memory_space<vmem>>
    %dma_start3A_150 = tpu.memref_squeeze %dma_start3A_149 : memref<1x128x128xf32, #tpu.memory_space<vmem>> -> memref<128x128xf32, #tpu.memory_space<vmem>>
    %dma_start3A_151 = arith.constant 0 : i32
    %dma_start3A_152 = tpu.memref_slice %arg7[%dma_start3A_145, %dma_start3A_151] : memref<157x128xi32, #tpu.memory_space<vmem>> -> memref<1x128xi32, #tpu.memory_space<vmem>>
    %dma_start3A_153 = tpu.memref_squeeze %dma_start3A_152 : memref<1x128xi32, #tpu.memory_space<vmem>> -> memref<128xi32, #tpu.memory_space<vmem>>
    %dma_start3A_154 = arith.constant 0 : i32
    %dma_start3A_155 = arith.constant 0 : i32
    %dma_start3A_156 = tpu.memref_slice %arg2[%dma_start3A_154, %dma_start3A_155] : memref<10000x128xf32, #tpu.memory_space<hbm>> -> memref<10000x128xf32, #tpu.memory_space<hbm>>
    tpu.enqueue_indirect_dma source(%dma_start3A_156 : memref<10000x128xf32, #tpu.memory_space<hbm>>) target(%dma_start3A_150 : memref<128x128xf32, #tpu.memory_space<vmem>>) offsets(%dma_start3A_153 : memref<128xi32, #tpu.memory_space<vmem>>) semaphore(%arg11 : memref<!tpu.dma_semaphore, #tpu.memory_space<semaphore_mem>>)
    %dma_wait3A_157 = arith.constant 156 : i32
    %dma_wait3A_158 = arith.constant 0 : i32
    %dma_wait3A_159 = arith.constant 0 : i32
    %dma_wait3A_160 = arith.constant 0 : i32
    %dma_wait3A_161 = tpu.memref_slice %arg9[%dma_wait3A_158, %dma_wait3A_159, %dma_wait3A_160] : memref<2x128x128xf32, #tpu.memory_space<vmem>> -> memref<1x128x128xf32, #tpu.memory_space<vmem>>
    %dma_wait3A_162 = tpu.memref_squeeze %dma_wait3A_161 : memref<1x128x128xf32, #tpu.memory_space<vmem>> -> memref<128x128xf32, #tpu.memory_space<vmem>>
    %dma_wait3A_163 = arith.constant 0 : i32
    %dma_wait3A_164 = tpu.memref_slice %arg7[%dma_wait3A_157, %dma_wait3A_163] : memref<157x128xi32, #tpu.memory_space<vmem>> -> memref<1x128xi32, #tpu.memory_space<vmem>>
    %dma_wait3A_165 = tpu.memref_squeeze %dma_wait3A_164 : memref<1x128xi32, #tpu.memory_space<vmem>> -> memref<128xi32, #tpu.memory_space<vmem>>
    %dma_wait3A_166 = arith.constant 0 : i32
    %dma_wait3A_167 = arith.constant 0 : i32
    %dma_wait3A_168 = tpu.memref_slice %arg2[%dma_wait3A_166, %dma_wait3A_167] : memref<10000x128xf32, #tpu.memory_space<hbm>> -> memref<10000x128xf32, #tpu.memory_space<hbm>>
    tpu.wait_indirect_dma semaphore(%arg11 : memref<!tpu.dma_semaphore, #tpu.memory_space<semaphore_mem>>) src(%dma_wait3A_168 : memref<10000x128xf32, #tpu.memory_space<hbm>>) dst(%dma_wait3A_162 : memref<128x128xf32, #tpu.memory_space<vmem>>)
    %dma_start3A_169 = arith.constant 0 : i32
    %dma_start3A_170 = arith.constant 156 : i32
    %dma_start3A_171 = arith.constant 0 : i32
    %dma_start3A_172 = arith.constant 0 : i32
    %dma_start3A_173 = tpu.memref_slice %arg9[%dma_start3A_169, %dma_start3A_171, %dma_start3A_172] : memref<2x128x128xf32, #tpu.memory_space<vmem>> -> memref<1x128x128xf32, #tpu.memory_space<vmem>>
    %dma_start3A_174 = tpu.memref_squeeze %dma_start3A_173 : memref<1x128x128xf32, #tpu.memory_space<vmem>> -> memref<128x128xf32, #tpu.memory_space<vmem>>
    %dma_start3A_175 = arith.constant 0 : i32
    %dma_start3A_176 = tpu.memref_slice %arg8[%dma_start3A_170, %dma_start3A_175] : memref<157x128xi32, #tpu.memory_space<vmem>> -> memref<1x128xi32, #tpu.memory_space<vmem>>
    %dma_start3A_177 = tpu.memref_squeeze %dma_start3A_176 : memref<1x128xi32, #tpu.memory_space<vmem>> -> memref<128xi32, #tpu.memory_space<vmem>>
    %dma_start3A_178 = arith.constant 0 : i32
    %dma_start3A_179 = arith.constant 0 : i32
    %dma_start3A_180 = tpu.memref_slice %arg10[%dma_start3A_178, %dma_start3A_179] : memref<5248x128xf32, #tpu.memory_space<vmem_shared>> -> memref<5248x128xf32, #tpu.memory_space<vmem_shared>>
    tpu.enqueue_indirect_dma source(%dma_start3A_174 : memref<128x128xf32, #tpu.memory_space<vmem>>) target(%dma_start3A_180 : memref<5248x128xf32, #tpu.memory_space<vmem_shared>>) offsets(%dma_start3A_177 : memref<128xi32, #tpu.memory_space<vmem>>) semaphore(%arg13 : memref<!tpu.dma_semaphore, #tpu.memory_space<semaphore_mem>>) {add = true}
    %dma_wait3A_181 = arith.constant 1 : i32
    %dma_wait3A_182 = arith.constant 155 : i32
    %dma_wait3A_183 = arith.constant 0 : i32
    %dma_wait3A_184 = arith.constant 0 : i32
    %dma_wait3A_185 = tpu.memref_slice %arg9[%dma_wait3A_181, %dma_wait3A_183, %dma_wait3A_184] : memref<2x128x128xf32, #tpu.memory_space<vmem>> -> memref<1x128x128xf32, #tpu.memory_space<vmem>>
    %dma_wait3A_186 = tpu.memref_squeeze %dma_wait3A_185 : memref<1x128x128xf32, #tpu.memory_space<vmem>> -> memref<128x128xf32, #tpu.memory_space<vmem>>
    %dma_wait3A_187 = arith.constant 0 : i32
    %dma_wait3A_188 = tpu.memref_slice %arg8[%dma_wait3A_182, %dma_wait3A_187] : memref<157x128xi32, #tpu.memory_space<vmem>> -> memref<1x128xi32, #tpu.memory_space<vmem>>
    %dma_wait3A_189 = tpu.memref_squeeze %dma_wait3A_188 : memref<1x128xi32, #tpu.memory_space<vmem>> -> memref<128xi32, #tpu.memory_space<vmem>>
    %dma_wait3A_190 = arith.constant 0 : i32
    %dma_wait3A_191 = arith.constant 0 : i32
    %dma_wait3A_192 = tpu.memref_slice %arg10[%dma_wait3A_190, %dma_wait3A_191] : memref<5248x128xf32, #tpu.memory_space<vmem_shared>> -> memref<5248x128xf32, #tpu.memory_space<vmem_shared>>
    tpu.wait_indirect_dma semaphore(%arg14 : memref<!tpu.dma_semaphore, #tpu.memory_space<semaphore_mem>>) src(%dma_wait3A_186 : memref<128x128xf32, #tpu.memory_space<vmem>>) dst(%dma_wait3A_192 : memref<5248x128xf32, #tpu.memory_space<vmem_shared>>)
    %dma_wait3A_193 = arith.constant 0 : i32
    %dma_wait3A_194 = arith.constant 156 : i32
    %dma_wait3A_195 = arith.constant 0 : i32
    %dma_wait3A_196 = arith.constant 0 : i32
    %dma_wait3A_197 = tpu.memref_slice %arg9[%dma_wait3A_193, %dma_wait3A_195, %dma_wait3A_196] : memref<2x128x128xf32, #tpu.memory_space<vmem>> -> memref<1x128x128xf32, #tpu.memory_space<vmem>>
    %dma_wait3A_198 = tpu.memref_squeeze %dma_wait3A_197 : memref<1x128x128xf32, #tpu.memory_space<vmem>> -> memref<128x128xf32, #tpu.memory_space<vmem>>
    %dma_wait3A_199 = arith.constant 0 : i32
    %dma_wait3A_200 = tpu.memref_slice %arg8[%dma_wait3A_194, %dma_wait3A_199] : memref<157x128xi32, #tpu.memory_space<vmem>> -> memref<1x128xi32, #tpu.memory_space<vmem>>
    %dma_wait3A_201 = tpu.memref_squeeze %dma_wait3A_200 : memref<1x128xi32, #tpu.memory_space<vmem>> -> memref<128xi32, #tpu.memory_space<vmem>>
    %dma_wait3A_202 = arith.constant 0 : i32
    %dma_wait3A_203 = arith.constant 0 : i32
    %dma_wait3A_204 = tpu.memref_slice %arg10[%dma_wait3A_202, %dma_wait3A_203] : memref<5248x128xf32, #tpu.memory_space<vmem_shared>> -> memref<5248x128xf32, #tpu.memory_space<vmem_shared>>
    tpu.wait_indirect_dma semaphore(%arg13 : memref<!tpu.dma_semaphore, #tpu.memory_space<semaphore_mem>>) src(%dma_wait3A_198 : memref<128x128xf32, #tpu.memory_space<vmem>>) dst(%dma_wait3A_204 : memref<5248x128xf32, #tpu.memory_space<vmem_shared>>)
    %barrier3A_205 = arith.constant 0 : index
    tpu.barrier barrier_id(%barrier3A_205)
    %mul3A_206 = arith.constant 320 : i32
    %mul3A_207 = arith.muli %arg1, %mul3A_206 : i32
    %mul3A_208 = arith.constant 5120 : i32
    %mul3A_209 = arith.muli %arg0, %mul3A_208 : i32
    %mul3A_210 = arith.constant 320 : i32
    %mul3A_211 = arith.muli %arg1, %mul3A_210 : i32
    %add3A = arith.addi %mul3A_209, %mul3A_211 : i32
    "tpu.region"() ({
      %run_scoped3A = tpu.sem_alloc : memref<!tpu.dma_semaphore, #tpu.memory_space<semaphore_mem>>
      %dma_start3A_212 = arith.constant 0 : i32
      %dma_start3A_213 = tpu.memref_slice %arg6[%add3A, %dma_start3A_212] : memref<10240x128xf32, #tpu.memory_space<hbm>> -> memref<320x128xf32, #tpu.memory_space<hbm>>
      %dma_start3A_214 = arith.constant 0 : i32
      %dma_start3A_215 = tpu.memref_slice %arg10[%mul3A_207, %dma_start3A_214] : memref<5248x128xf32, #tpu.memory_space<vmem_shared>> -> memref<320x128xf32, #tpu.memory_space<vmem_shared>>
      tpu.enqueue_dma source(%dma_start3A_215 : memref<320x128xf32, #tpu.memory_space<vmem_shared>>) target(%dma_start3A_213 : memref<320x128xf32, #tpu.memory_space<hbm>>) target_semaphore(%run_scoped3A : memref<!tpu.dma_semaphore, #tpu.memory_space<semaphore_mem>>)
      %dma_wait3A_216 = arith.constant 0 : i32
      %dma_wait3A_217 = tpu.memref_slice %arg6[%add3A, %dma_wait3A_216] : memref<10240x128xf32, #tpu.memory_space<hbm>> -> memref<320x128xf32, #tpu.memory_space<hbm>>
      %dma_wait3A_218 = arith.constant 0 : i32
      %dma_wait3A_219 = tpu.memref_slice %arg10[%mul3A_207, %dma_wait3A_218] : memref<5248x128xf32, #tpu.memory_space<vmem_shared>> -> memref<320x128xf32, #tpu.memory_space<vmem_shared>>
      tpu.wait_dma2 semaphore(%run_scoped3A : memref<!tpu.dma_semaphore, #tpu.memory_space<semaphore_mem>>) src(%dma_wait3A_219 : memref<320x128xf32, #tpu.memory_space<vmem_shared>>) dst(%dma_wait3A_217 : memref<320x128xf32, #tpu.memory_space<hbm>>)
      tpu.yield
    }) : () -> ()
    return
  }
}

#map = affine_map<(d0, d1) -> (0, 0)>
#map1 = affine_map<(d0, d1) -> (0, 0, 0)>
#map2 = affine_map<(d0, d1) -> (0, 0, 0, 0)>
module attributes {stable_mosaic.version = 14 : i64} {
  func.func @agg(%arg0: i32, %arg1: i32, %arg2: memref<10000x128xf32, #tpu.memory_space<hbm>>, %arg3: memref<16x157x128xi32, #tpu.memory_space<hbm>>, %arg4: memref<2x16x157x128xi32, #tpu.memory_space<hbm>>, %arg5: memref<328x128xf32, #tpu.memory_space<hbm>>, %arg6: memref<10240x128xf32, #tpu.memory_space<hbm>>, %arg7: memref<157x128xi32, #tpu.memory_space<vmem>>, %arg8: memref<157x128xi32, #tpu.memory_space<vmem>>, %arg9: memref<2x128x128xf32, #tpu.memory_space<vmem>>, %arg10: memref<5248x128xf32, #tpu.memory_space<vmem_shared>>, %arg11: memref<!tpu.dma_semaphore, #tpu.memory_space<semaphore_mem>>, %arg12: memref<!tpu.dma_semaphore, #tpu.memory_space<semaphore_mem>>, %arg13: memref<!tpu.dma_semaphore, #tpu.memory_space<semaphore_mem>>, %arg14: memref<!tpu.dma_semaphore, #tpu.memory_space<semaphore_mem>>) attributes {dimension_semantics = [#tpu.dimension_semantics<core_parallel>, #tpu.dimension_semantics<subcore_parallel>], iteration_bounds = array<i64: 2, 16>, scalar_prefetch = 0 : i64, scratch_operands = 8 : i64, tpu.core_type = #tpu.core_type<sc_vector_subcore>, window_params = [{transform_indices = #map}, {transform_indices = #map1}, {transform_indices = #map2}, {transform_indices = #map}, {transform_indices = #map}]} {
    %mul3A = arith.constant 328 : i32
    %mul3A_0 = arith.muli %arg1, %mul3A : i32
    %dma_start3A = arith.constant 0 : i32
    %dma_start3A_1 = arith.constant 0 : i32
    %dma_start3A_2 = tpu.memref_slice %arg3[%arg1, %dma_start3A, %dma_start3A_1] : memref<16x157x128xi32, #tpu.memory_space<hbm>> -> memref<1x157x128xi32, #tpu.memory_space<hbm>>
    %dma_start3A_3 = tpu.memref_squeeze %dma_start3A_2 : memref<1x157x128xi32, #tpu.memory_space<hbm>> -> memref<157x128xi32, #tpu.memory_space<hbm>>
    %dma_start3A_4 = arith.constant 0 : i32
    %dma_start3A_5 = arith.constant 0 : i32
    %dma_start3A_6 = tpu.memref_slice %arg3[%arg1, %dma_start3A_4, %dma_start3A_5] : memref<16x157x128xi32, #tpu.memory_space<hbm>> -> memref<1x157x128xi32, #tpu.memory_space<hbm>>
    %dma_start3A_7 = tpu.memref_squeeze %dma_start3A_6 : memref<1x157x128xi32, #tpu.memory_space<hbm>> -> memref<157x128xi32, #tpu.memory_space<hbm>>
    tpu.enqueue_dma source(%dma_start3A_7 : memref<157x128xi32, #tpu.memory_space<hbm>>) target(%arg7 : memref<157x128xi32, #tpu.memory_space<vmem>>) target_semaphore(%arg11 : memref<!tpu.dma_semaphore, #tpu.memory_space<semaphore_mem>>)
    %dma_start3A_8 = arith.constant 0 : i32
    %dma_start3A_9 = arith.constant 0 : i32
    %dma_start3A_10 = arith.constant 0 : i32
    %dma_start3A_11 = tpu.memref_slice %arg4[%arg0, %dma_start3A_8, %dma_start3A_9, %dma_start3A_10] : memref<2x16x157x128xi32, #tpu.memory_space<hbm>> -> memref<1x16x157x128xi32, #tpu.memory_space<hbm>>
    %dma_start3A_12 = tpu.memref_squeeze %dma_start3A_11 : memref<1x16x157x128xi32, #tpu.memory_space<hbm>> -> memref<16x157x128xi32, #tpu.memory_space<hbm>>
    %dma_start3A_13 = arith.constant 0 : i32
    %dma_start3A_14 = arith.constant 0 : i32
    %dma_start3A_15 = tpu.memref_slice %dma_start3A_12[%arg1, %dma_start3A_13, %dma_start3A_14] : memref<16x157x128xi32, #tpu.memory_space<hbm>> -> memref<1x157x128xi32, #tpu.memory_space<hbm>>
    %dma_start3A_16 = tpu.memref_squeeze %dma_start3A_15 : memref<1x157x128xi32, #tpu.memory_space<hbm>> -> memref<157x128xi32, #tpu.memory_space<hbm>>
    %dma_start3A_17 = arith.constant 0 : i32
    %dma_start3A_18 = arith.constant 0 : i32
    %dma_start3A_19 = arith.constant 0 : i32
    %dma_start3A_20 = tpu.memref_slice %arg4[%arg0, %dma_start3A_17, %dma_start3A_18, %dma_start3A_19] : memref<2x16x157x128xi32, #tpu.memory_space<hbm>> -> memref<1x16x157x128xi32, #tpu.memory_space<hbm>>
    %dma_start3A_21 = tpu.memref_squeeze %dma_start3A_20 : memref<1x16x157x128xi32, #tpu.memory_space<hbm>> -> memref<16x157x128xi32, #tpu.memory_space<hbm>>
    %dma_start3A_22 = arith.constant 0 : i32
    %dma_start3A_23 = arith.constant 0 : i32
    %dma_start3A_24 = tpu.memref_slice %dma_start3A_21[%arg1, %dma_start3A_22, %dma_start3A_23] : memref<16x157x128xi32, #tpu.memory_space<hbm>> -> memref<1x157x128xi32, #tpu.memory_space<hbm>>
    %dma_start3A_25 = tpu.memref_squeeze %dma_start3A_24 : memref<1x157x128xi32, #tpu.memory_space<hbm>> -> memref<157x128xi32, #tpu.memory_space<hbm>>
    tpu.enqueue_dma source(%dma_start3A_25 : memref<157x128xi32, #tpu.memory_space<hbm>>) target(%arg8 : memref<157x128xi32, #tpu.memory_space<vmem>>) target_semaphore(%arg12 : memref<!tpu.dma_semaphore, #tpu.memory_space<semaphore_mem>>)
    %dma_start3A_26 = arith.constant 0 : i32
    %dma_start3A_27 = tpu.memref_slice %arg10[%mul3A_0, %dma_start3A_26] : memref<5248x128xf32, #tpu.memory_space<vmem_shared>> -> memref<328x128xf32, #tpu.memory_space<vmem_shared>>
    tpu.enqueue_dma source(%arg5 : memref<328x128xf32, #tpu.memory_space<hbm>>) target(%dma_start3A_27 : memref<328x128xf32, #tpu.memory_space<vmem_shared>>) target_semaphore(%arg13 : memref<!tpu.dma_semaphore, #tpu.memory_space<semaphore_mem>>)
    %dma_wait3A = arith.constant 0 : i32
    %dma_wait3A_28 = arith.constant 0 : i32
    %dma_wait3A_29 = tpu.memref_slice %arg3[%arg1, %dma_wait3A, %dma_wait3A_28] : memref<16x157x128xi32, #tpu.memory_space<hbm>> -> memref<1x157x128xi32, #tpu.memory_space<hbm>>
    %dma_wait3A_30 = tpu.memref_squeeze %dma_wait3A_29 : memref<1x157x128xi32, #tpu.memory_space<hbm>> -> memref<157x128xi32, #tpu.memory_space<hbm>>
    %dma_wait3A_31 = arith.constant 0 : i32
    %dma_wait3A_32 = arith.constant 0 : i32
    %dma_wait3A_33 = tpu.memref_slice %arg3[%arg1, %dma_wait3A_31, %dma_wait3A_32] : memref<16x157x128xi32, #tpu.memory_space<hbm>> -> memref<1x157x128xi32, #tpu.memory_space<hbm>>
    %dma_wait3A_34 = tpu.memref_squeeze %dma_wait3A_33 : memref<1x157x128xi32, #tpu.memory_space<hbm>> -> memref<157x128xi32, #tpu.memory_space<hbm>>
    tpu.wait_dma2 semaphore(%arg11 : memref<!tpu.dma_semaphore, #tpu.memory_space<semaphore_mem>>) src(%dma_wait3A_34 : memref<157x128xi32, #tpu.memory_space<hbm>>) dst(%arg7 : memref<157x128xi32, #tpu.memory_space<vmem>>)
    %dma_wait3A_35 = arith.constant 0 : i32
    %dma_wait3A_36 = arith.constant 0 : i32
    %dma_wait3A_37 = arith.constant 0 : i32
    %dma_wait3A_38 = tpu.memref_slice %arg4[%arg0, %dma_wait3A_35, %dma_wait3A_36, %dma_wait3A_37] : memref<2x16x157x128xi32, #tpu.memory_space<hbm>> -> memref<1x16x157x128xi32, #tpu.memory_space<hbm>>
    %dma_wait3A_39 = tpu.memref_squeeze %dma_wait3A_38 : memref<1x16x157x128xi32, #tpu.memory_space<hbm>> -> memref<16x157x128xi32, #tpu.memory_space<hbm>>
    %dma_wait3A_40 = arith.constant 0 : i32
    %dma_wait3A_41 = arith.constant 0 : i32
    %dma_wait3A_42 = tpu.memref_slice %dma_wait3A_39[%arg1, %dma_wait3A_40, %dma_wait3A_41] : memref<16x157x128xi32, #tpu.memory_space<hbm>> -> memref<1x157x128xi32, #tpu.memory_space<hbm>>
    %dma_wait3A_43 = tpu.memref_squeeze %dma_wait3A_42 : memref<1x157x128xi32, #tpu.memory_space<hbm>> -> memref<157x128xi32, #tpu.memory_space<hbm>>
    %dma_wait3A_44 = arith.constant 0 : i32
    %dma_wait3A_45 = arith.constant 0 : i32
    %dma_wait3A_46 = arith.constant 0 : i32
    %dma_wait3A_47 = tpu.memref_slice %arg4[%arg0, %dma_wait3A_44, %dma_wait3A_45, %dma_wait3A_46] : memref<2x16x157x128xi32, #tpu.memory_space<hbm>> -> memref<1x16x157x128xi32, #tpu.memory_space<hbm>>
    %dma_wait3A_48 = tpu.memref_squeeze %dma_wait3A_47 : memref<1x16x157x128xi32, #tpu.memory_space<hbm>> -> memref<16x157x128xi32, #tpu.memory_space<hbm>>
    %dma_wait3A_49 = arith.constant 0 : i32
    %dma_wait3A_50 = arith.constant 0 : i32
    %dma_wait3A_51 = tpu.memref_slice %dma_wait3A_48[%arg1, %dma_wait3A_49, %dma_wait3A_50] : memref<16x157x128xi32, #tpu.memory_space<hbm>> -> memref<1x157x128xi32, #tpu.memory_space<hbm>>
    %dma_wait3A_52 = tpu.memref_squeeze %dma_wait3A_51 : memref<1x157x128xi32, #tpu.memory_space<hbm>> -> memref<157x128xi32, #tpu.memory_space<hbm>>
    tpu.wait_dma2 semaphore(%arg12 : memref<!tpu.dma_semaphore, #tpu.memory_space<semaphore_mem>>) src(%dma_wait3A_52 : memref<157x128xi32, #tpu.memory_space<hbm>>) dst(%arg8 : memref<157x128xi32, #tpu.memory_space<vmem>>)
    %dma_wait3A_53 = arith.constant 0 : i32
    %dma_wait3A_54 = tpu.memref_slice %arg10[%mul3A_0, %dma_wait3A_53] : memref<5248x128xf32, #tpu.memory_space<vmem_shared>> -> memref<328x128xf32, #tpu.memory_space<vmem_shared>>
    tpu.wait_dma2 semaphore(%arg13 : memref<!tpu.dma_semaphore, #tpu.memory_space<semaphore_mem>>) src(%arg5 : memref<328x128xf32, #tpu.memory_space<hbm>>) dst(%dma_wait3A_54 : memref<328x128xf32, #tpu.memory_space<vmem_shared>>)
    %barrier3A = arith.constant 0 : index
    tpu.barrier barrier_id(%barrier3A)
    %dma_start3A_55 = arith.constant 0 : i32
    %dma_start3A_56 = arith.constant 0 : i32
    %dma_start3A_57 = arith.constant 0 : i32
    %dma_start3A_58 = arith.constant 0 : i32
    %dma_start3A_59 = tpu.memref_slice %arg9[%dma_start3A_56, %dma_start3A_57, %dma_start3A_58] : memref<2x128x128xf32, #tpu.memory_space<vmem>> -> memref<1x128x128xf32, #tpu.memory_space<vmem>>
    %dma_start3A_60 = tpu.memref_squeeze %dma_start3A_59 : memref<1x128x128xf32, #tpu.memory_space<vmem>> -> memref<128x128xf32, #tpu.memory_space<vmem>>
    %dma_start3A_61 = arith.constant 0 : i32
    %dma_start3A_62 = tpu.memref_slice %arg7[%dma_start3A_55, %dma_start3A_61] : memref<157x128xi32, #tpu.memory_space<vmem>> -> memref<1x128xi32, #tpu.memory_space<vmem>>
    %dma_start3A_63 = tpu.memref_squeeze %dma_start3A_62 : memref<1x128xi32, #tpu.memory_space<vmem>> -> memref<128xi32, #tpu.memory_space<vmem>>
    %dma_start3A_64 = arith.constant 0 : i32
    %dma_start3A_65 = arith.constant 0 : i32
    %dma_start3A_66 = tpu.memref_slice %arg2[%dma_start3A_64, %dma_start3A_65] : memref<10000x128xf32, #tpu.memory_space<hbm>> -> memref<10000x128xf32, #tpu.memory_space<hbm>>
    tpu.enqueue_indirect_dma source(%dma_start3A_66 : memref<10000x128xf32, #tpu.memory_space<hbm>>) target(%dma_start3A_60 : memref<128x128xf32, #tpu.memory_space<vmem>>) offsets(%dma_start3A_63 : memref<128xi32, #tpu.memory_space<vmem>>) semaphore(%arg11 : memref<!tpu.dma_semaphore, #tpu.memory_space<semaphore_mem>>)
    %dma_wait3A_67 = arith.constant 0 : i32
    %dma_wait3A_68 = arith.constant 0 : i32
    %dma_wait3A_69 = arith.constant 0 : i32
    %dma_wait3A_70 = arith.constant 0 : i32
    %dma_wait3A_71 = tpu.memref_slice %arg9[%dma_wait3A_68, %dma_wait3A_69, %dma_wait3A_70] : memref<2x128x128xf32, #tpu.memory_space<vmem>> -> memref<1x128x128xf32, #tpu.memory_space<vmem>>
    %dma_wait3A_72 = tpu.memref_squeeze %dma_wait3A_71 : memref<1x128x128xf32, #tpu.memory_space<vmem>> -> memref<128x128xf32, #tpu.memory_space<vmem>>
    %dma_wait3A_73 = arith.constant 0 : i32
    %dma_wait3A_74 = tpu.memref_slice %arg7[%dma_wait3A_67, %dma_wait3A_73] : memref<157x128xi32, #tpu.memory_space<vmem>> -> memref<1x128xi32, #tpu.memory_space<vmem>>
    %dma_wait3A_75 = tpu.memref_squeeze %dma_wait3A_74 : memref<1x128xi32, #tpu.memory_space<vmem>> -> memref<128xi32, #tpu.memory_space<vmem>>
    %dma_wait3A_76 = arith.constant 0 : i32
    %dma_wait3A_77 = arith.constant 0 : i32
    %dma_wait3A_78 = tpu.memref_slice %arg2[%dma_wait3A_76, %dma_wait3A_77] : memref<10000x128xf32, #tpu.memory_space<hbm>> -> memref<10000x128xf32, #tpu.memory_space<hbm>>
    tpu.wait_indirect_dma semaphore(%arg11 : memref<!tpu.dma_semaphore, #tpu.memory_space<semaphore_mem>>) src(%dma_wait3A_78 : memref<10000x128xf32, #tpu.memory_space<hbm>>) dst(%dma_wait3A_72 : memref<128x128xf32, #tpu.memory_space<vmem>>)
    %dma_start3A_79 = arith.constant 0 : i32
    %dma_start3A_80 = arith.constant 0 : i32
    %dma_start3A_81 = arith.constant 0 : i32
    %dma_start3A_82 = arith.constant 0 : i32
    %dma_start3A_83 = tpu.memref_slice %arg9[%dma_start3A_79, %dma_start3A_81, %dma_start3A_82] : memref<2x128x128xf32, #tpu.memory_space<vmem>> -> memref<1x128x128xf32, #tpu.memory_space<vmem>>
    %dma_start3A_84 = tpu.memref_squeeze %dma_start3A_83 : memref<1x128x128xf32, #tpu.memory_space<vmem>> -> memref<128x128xf32, #tpu.memory_space<vmem>>
    %dma_start3A_85 = arith.constant 0 : i32
    %dma_start3A_86 = tpu.memref_slice %arg8[%dma_start3A_80, %dma_start3A_85] : memref<157x128xi32, #tpu.memory_space<vmem>> -> memref<1x128xi32, #tpu.memory_space<vmem>>
    %dma_start3A_87 = tpu.memref_squeeze %dma_start3A_86 : memref<1x128xi32, #tpu.memory_space<vmem>> -> memref<128xi32, #tpu.memory_space<vmem>>
    %dma_start3A_88 = arith.constant 0 : i32
    %dma_start3A_89 = arith.constant 0 : i32
    %dma_start3A_90 = tpu.memref_slice %arg10[%dma_start3A_88, %dma_start3A_89] : memref<5248x128xf32, #tpu.memory_space<vmem_shared>> -> memref<5248x128xf32, #tpu.memory_space<vmem_shared>>
    tpu.enqueue_indirect_dma source(%dma_start3A_84 : memref<128x128xf32, #tpu.memory_space<vmem>>) target(%dma_start3A_90 : memref<5248x128xf32, #tpu.memory_space<vmem_shared>>) offsets(%dma_start3A_87 : memref<128xi32, #tpu.memory_space<vmem>>) semaphore(%arg13 : memref<!tpu.dma_semaphore, #tpu.memory_space<semaphore_mem>>) {add = true}
    %dma_start3A_91 = arith.constant 1 : i32
    %dma_start3A_92 = arith.constant 1 : i32
    %dma_start3A_93 = arith.constant 0 : i32
    %dma_start3A_94 = arith.constant 0 : i32
    %dma_start3A_95 = tpu.memref_slice %arg9[%dma_start3A_92, %dma_start3A_93, %dma_start3A_94] : memref<2x128x128xf32, #tpu.memory_space<vmem>> -> memref<1x128x128xf32, #tpu.memory_space<vmem>>
    %dma_start3A_96 = tpu.memref_squeeze %dma_start3A_95 : memref<1x128x128xf32, #tpu.memory_space<vmem>> -> memref<128x128xf32, #tpu.memory_space<vmem>>
    %dma_start3A_97 = arith.constant 0 : i32
    %dma_start3A_98 = tpu.memref_slice %arg7[%dma_start3A_91, %dma_start3A_97] : memref<157x128xi32, #tpu.memory_space<vmem>> -> memref<1x128xi32, #tpu.memory_space<vmem>>
    %dma_start3A_99 = tpu.memref_squeeze %dma_start3A_98 : memref<1x128xi32, #tpu.memory_space<vmem>> -> memref<128xi32, #tpu.memory_space<vmem>>
    %dma_start3A_100 = arith.constant 0 : i32
    %dma_start3A_101 = arith.constant 0 : i32
    %dma_start3A_102 = tpu.memref_slice %arg2[%dma_start3A_100, %dma_start3A_101] : memref<10000x128xf32, #tpu.memory_space<hbm>> -> memref<10000x128xf32, #tpu.memory_space<hbm>>
    tpu.enqueue_indirect_dma source(%dma_start3A_102 : memref<10000x128xf32, #tpu.memory_space<hbm>>) target(%dma_start3A_96 : memref<128x128xf32, #tpu.memory_space<vmem>>) offsets(%dma_start3A_99 : memref<128xi32, #tpu.memory_space<vmem>>) semaphore(%arg12 : memref<!tpu.dma_semaphore, #tpu.memory_space<semaphore_mem>>)
    %scan3A = arith.constant 0 : i32
    %scan3A_103 = arith.constant 0 : i32
    %scan3A_104 = arith.constant 77 : i32
    %scan3A_105 = arith.addi %scan3A_103, %scan3A_104 : i32
    %scan3A_106 = arith.constant 1 : i32
    %scan3A_107 = scf.for %scan3A_212 = %scan3A_103 to %scan3A_105 step %scan3A_106 iter_args(%scan3A_213 = %scan3A) -> (i32)  : i32 {
      %mul3A_214 = arith.constant 2 : i32
      %mul3A_215 = arith.muli %scan3A_212, %mul3A_214 : i32
      %add3A_216 = arith.constant 1 : i32
      %add3A_217 = arith.addi %mul3A_215, %add3A_216 : i32
      %dma_wait3A_218 = arith.constant 1 : i32
      %dma_wait3A_219 = arith.constant 0 : i32
      %dma_wait3A_220 = arith.constant 0 : i32
      %dma_wait3A_221 = tpu.memref_slice %arg9[%dma_wait3A_218, %dma_wait3A_219, %dma_wait3A_220] : memref<2x128x128xf32, #tpu.memory_space<vmem>> -> memref<1x128x128xf32, #tpu.memory_space<vmem>>
      %dma_wait3A_222 = tpu.memref_squeeze %dma_wait3A_221 : memref<1x128x128xf32, #tpu.memory_space<vmem>> -> memref<128x128xf32, #tpu.memory_space<vmem>>
      %dma_wait3A_223 = arith.constant 0 : i32
      %dma_wait3A_224 = tpu.memref_slice %arg7[%add3A_217, %dma_wait3A_223] : memref<157x128xi32, #tpu.memory_space<vmem>> -> memref<1x128xi32, #tpu.memory_space<vmem>>
      %dma_wait3A_225 = tpu.memref_squeeze %dma_wait3A_224 : memref<1x128xi32, #tpu.memory_space<vmem>> -> memref<128xi32, #tpu.memory_space<vmem>>
      %dma_wait3A_226 = arith.constant 0 : i32
      %dma_wait3A_227 = arith.constant 0 : i32
      %dma_wait3A_228 = tpu.memref_slice %arg2[%dma_wait3A_226, %dma_wait3A_227] : memref<10000x128xf32, #tpu.memory_space<hbm>> -> memref<10000x128xf32, #tpu.memory_space<hbm>>
      tpu.wait_indirect_dma semaphore(%arg12 : memref<!tpu.dma_semaphore, #tpu.memory_space<semaphore_mem>>) src(%dma_wait3A_228 : memref<10000x128xf32, #tpu.memory_space<hbm>>) dst(%dma_wait3A_222 : memref<128x128xf32, #tpu.memory_space<vmem>>)
      %dma_start3A_229 = arith.constant 1 : i32
      %dma_start3A_230 = arith.constant 0 : i32
      %dma_start3A_231 = arith.constant 0 : i32
      %dma_start3A_232 = tpu.memref_slice %arg9[%dma_start3A_229, %dma_start3A_230, %dma_start3A_231] : memref<2x128x128xf32, #tpu.memory_space<vmem>> -> memref<1x128x128xf32, #tpu.memory_space<vmem>>
      %dma_start3A_233 = tpu.memref_squeeze %dma_start3A_232 : memref<1x128x128xf32, #tpu.memory_space<vmem>> -> memref<128x128xf32, #tpu.memory_space<vmem>>
      %dma_start3A_234 = arith.constant 0 : i32
      %dma_start3A_235 = tpu.memref_slice %arg8[%add3A_217, %dma_start3A_234] : memref<157x128xi32, #tpu.memory_space<vmem>> -> memref<1x128xi32, #tpu.memory_space<vmem>>
      %dma_start3A_236 = tpu.memref_squeeze %dma_start3A_235 : memref<1x128xi32, #tpu.memory_space<vmem>> -> memref<128xi32, #tpu.memory_space<vmem>>
      %dma_start3A_237 = arith.constant 0 : i32
      %dma_start3A_238 = arith.constant 0 : i32
      %dma_start3A_239 = tpu.memref_slice %arg10[%dma_start3A_237, %dma_start3A_238] : memref<5248x128xf32, #tpu.memory_space<vmem_shared>> -> memref<5248x128xf32, #tpu.memory_space<vmem_shared>>
      tpu.enqueue_indirect_dma source(%dma_start3A_233 : memref<128x128xf32, #tpu.memory_space<vmem>>) target(%dma_start3A_239 : memref<5248x128xf32, #tpu.memory_space<vmem_shared>>) offsets(%dma_start3A_236 : memref<128xi32, #tpu.memory_space<vmem>>) semaphore(%arg14 : memref<!tpu.dma_semaphore, #tpu.memory_space<semaphore_mem>>) {add = true}
      %sub3A = arith.constant 1 : i32
      %sub3A_240 = arith.subi %add3A_217, %sub3A : i32
      %dma_wait3A_241 = arith.constant 0 : i32
      %dma_wait3A_242 = arith.constant 0 : i32
      %dma_wait3A_243 = arith.constant 0 : i32
      %dma_wait3A_244 = tpu.memref_slice %arg9[%dma_wait3A_241, %dma_wait3A_242, %dma_wait3A_243] : memref<2x128x128xf32, #tpu.memory_space<vmem>> -> memref<1x128x128xf32, #tpu.memory_space<vmem>>
      %dma_wait3A_245 = tpu.memref_squeeze %dma_wait3A_244 : memref<1x128x128xf32, #tpu.memory_space<vmem>> -> memref<128x128xf32, #tpu.memory_space<vmem>>
      %dma_wait3A_246 = arith.constant 0 : i32
      %dma_wait3A_247 = tpu.memref_slice %arg8[%sub3A_240, %dma_wait3A_246] : memref<157x128xi32, #tpu.memory_space<vmem>> -> memref<1x128xi32, #tpu.memory_space<vmem>>
      %dma_wait3A_248 = tpu.memref_squeeze %dma_wait3A_247 : memref<1x128xi32, #tpu.memory_space<vmem>> -> memref<128xi32, #tpu.memory_space<vmem>>
      %dma_wait3A_249 = arith.constant 0 : i32
      %dma_wait3A_250 = arith.constant 0 : i32
      %dma_wait3A_251 = tpu.memref_slice %arg10[%dma_wait3A_249, %dma_wait3A_250] : memref<5248x128xf32, #tpu.memory_space<vmem_shared>> -> memref<5248x128xf32, #tpu.memory_space<vmem_shared>>
      tpu.wait_indirect_dma semaphore(%arg13 : memref<!tpu.dma_semaphore, #tpu.memory_space<semaphore_mem>>) src(%dma_wait3A_245 : memref<128x128xf32, #tpu.memory_space<vmem>>) dst(%dma_wait3A_251 : memref<5248x128xf32, #tpu.memory_space<vmem_shared>>)
      %add3A_252 = arith.constant 1 : i32
      %add3A_253 = arith.addi %add3A_217, %add3A_252 : i32
      %dma_start3A_254 = arith.constant 0 : i32
      %dma_start3A_255 = arith.constant 0 : i32
      %dma_start3A_256 = arith.constant 0 : i32
      %dma_start3A_257 = tpu.memref_slice %arg9[%dma_start3A_254, %dma_start3A_255, %dma_start3A_256] : memref<2x128x128xf32, #tpu.memory_space<vmem>> -> memref<1x128x128xf32, #tpu.memory_space<vmem>>
      %dma_start3A_258 = tpu.memref_squeeze %dma_start3A_257 : memref<1x128x128xf32, #tpu.memory_space<vmem>> -> memref<128x128xf32, #tpu.memory_space<vmem>>
      %dma_start3A_259 = arith.constant 0 : i32
      %dma_start3A_260 = tpu.memref_slice %arg7[%add3A_253, %dma_start3A_259] : memref<157x128xi32, #tpu.memory_space<vmem>> -> memref<1x128xi32, #tpu.memory_space<vmem>>
      %dma_start3A_261 = tpu.memref_squeeze %dma_start3A_260 : memref<1x128xi32, #tpu.memory_space<vmem>> -> memref<128xi32, #tpu.memory_space<vmem>>
      %dma_start3A_262 = arith.constant 0 : i32
      %dma_start3A_263 = arith.constant 0 : i32
      %dma_start3A_264 = tpu.memref_slice %arg2[%dma_start3A_262, %dma_start3A_263] : memref<10000x128xf32, #tpu.memory_space<hbm>> -> memref<10000x128xf32, #tpu.memory_space<hbm>>
      tpu.enqueue_indirect_dma source(%dma_start3A_264 : memref<10000x128xf32, #tpu.memory_space<hbm>>) target(%dma_start3A_258 : memref<128x128xf32, #tpu.memory_space<vmem>>) offsets(%dma_start3A_261 : memref<128xi32, #tpu.memory_space<vmem>>) semaphore(%arg11 : memref<!tpu.dma_semaphore, #tpu.memory_space<semaphore_mem>>)
      %mul3A_265 = arith.constant 2 : i32
      %mul3A_266 = arith.muli %scan3A_212, %mul3A_265 : i32
      %add3A_267 = arith.constant 2 : i32
      %add3A_268 = arith.addi %mul3A_266, %add3A_267 : i32
      %dma_wait3A_269 = arith.constant 0 : i32
      %dma_wait3A_270 = arith.constant 0 : i32
      %dma_wait3A_271 = arith.constant 0 : i32
      %dma_wait3A_272 = tpu.memref_slice %arg9[%dma_wait3A_269, %dma_wait3A_270, %dma_wait3A_271] : memref<2x128x128xf32, #tpu.memory_space<vmem>> -> memref<1x128x128xf32, #tpu.memory_space<vmem>>
      %dma_wait3A_273 = tpu.memref_squeeze %dma_wait3A_272 : memref<1x128x128xf32, #tpu.memory_space<vmem>> -> memref<128x128xf32, #tpu.memory_space<vmem>>
      %dma_wait3A_274 = arith.constant 0 : i32
      %dma_wait3A_275 = tpu.memref_slice %arg7[%add3A_268, %dma_wait3A_274] : memref<157x128xi32, #tpu.memory_space<vmem>> -> memref<1x128xi32, #tpu.memory_space<vmem>>
      %dma_wait3A_276 = tpu.memref_squeeze %dma_wait3A_275 : memref<1x128xi32, #tpu.memory_space<vmem>> -> memref<128xi32, #tpu.memory_space<vmem>>
      %dma_wait3A_277 = arith.constant 0 : i32
      %dma_wait3A_278 = arith.constant 0 : i32
      %dma_wait3A_279 = tpu.memref_slice %arg2[%dma_wait3A_277, %dma_wait3A_278] : memref<10000x128xf32, #tpu.memory_space<hbm>> -> memref<10000x128xf32, #tpu.memory_space<hbm>>
      tpu.wait_indirect_dma semaphore(%arg11 : memref<!tpu.dma_semaphore, #tpu.memory_space<semaphore_mem>>) src(%dma_wait3A_279 : memref<10000x128xf32, #tpu.memory_space<hbm>>) dst(%dma_wait3A_273 : memref<128x128xf32, #tpu.memory_space<vmem>>)
      %dma_start3A_280 = arith.constant 0 : i32
      %dma_start3A_281 = arith.constant 0 : i32
      %dma_start3A_282 = arith.constant 0 : i32
      %dma_start3A_283 = tpu.memref_slice %arg9[%dma_start3A_280, %dma_start3A_281, %dma_start3A_282] : memref<2x128x128xf32, #tpu.memory_space<vmem>> -> memref<1x128x128xf32, #tpu.memory_space<vmem>>
      %dma_start3A_284 = tpu.memref_squeeze %dma_start3A_283 : memref<1x128x128xf32, #tpu.memory_space<vmem>> -> memref<128x128xf32, #tpu.memory_space<vmem>>
      %dma_start3A_285 = arith.constant 0 : i32
      %dma_start3A_286 = tpu.memref_slice %arg8[%add3A_268, %dma_start3A_285] : memref<157x128xi32, #tpu.memory_space<vmem>> -> memref<1x128xi32, #tpu.memory_space<vmem>>
      %dma_start3A_287 = tpu.memref_squeeze %dma_start3A_286 : memref<1x128xi32, #tpu.memory_space<vmem>> -> memref<128xi32, #tpu.memory_space<vmem>>
      %dma_start3A_288 = arith.constant 0 : i32
      %dma_start3A_289 = arith.constant 0 : i32
      %dma_start3A_290 = tpu.memref_slice %arg10[%dma_start3A_288, %dma_start3A_289] : memref<5248x128xf32, #tpu.memory_space<vmem_shared>> -> memref<5248x128xf32, #tpu.memory_space<vmem_shared>>
      tpu.enqueue_indirect_dma source(%dma_start3A_284 : memref<128x128xf32, #tpu.memory_space<vmem>>) target(%dma_start3A_290 : memref<5248x128xf32, #tpu.memory_space<vmem_shared>>) offsets(%dma_start3A_287 : memref<128xi32, #tpu.memory_space<vmem>>) semaphore(%arg13 : memref<!tpu.dma_semaphore, #tpu.memory_space<semaphore_mem>>) {add = true}
      %sub3A_291 = arith.constant 1 : i32
      %sub3A_292 = arith.subi %add3A_268, %sub3A_291 : i32
      %dma_wait3A_293 = arith.constant 1 : i32
      %dma_wait3A_294 = arith.constant 0 : i32
      %dma_wait3A_295 = arith.constant 0 : i32
      %dma_wait3A_296 = tpu.memref_slice %arg9[%dma_wait3A_293, %dma_wait3A_294, %dma_wait3A_295] : memref<2x128x128xf32, #tpu.memory_space<vmem>> -> memref<1x128x128xf32, #tpu.memory_space<vmem>>
      %dma_wait3A_297 = tpu.memref_squeeze %dma_wait3A_296 : memref<1x128x128xf32, #tpu.memory_space<vmem>> -> memref<128x128xf32, #tpu.memory_space<vmem>>
      %dma_wait3A_298 = arith.constant 0 : i32
      %dma_wait3A_299 = tpu.memref_slice %arg8[%sub3A_292, %dma_wait3A_298] : memref<157x128xi32, #tpu.memory_space<vmem>> -> memref<1x128xi32, #tpu.memory_space<vmem>>
      %dma_wait3A_300 = tpu.memref_squeeze %dma_wait3A_299 : memref<1x128xi32, #tpu.memory_space<vmem>> -> memref<128xi32, #tpu.memory_space<vmem>>
      %dma_wait3A_301 = arith.constant 0 : i32
      %dma_wait3A_302 = arith.constant 0 : i32
      %dma_wait3A_303 = tpu.memref_slice %arg10[%dma_wait3A_301, %dma_wait3A_302] : memref<5248x128xf32, #tpu.memory_space<vmem_shared>> -> memref<5248x128xf32, #tpu.memory_space<vmem_shared>>
      tpu.wait_indirect_dma semaphore(%arg14 : memref<!tpu.dma_semaphore, #tpu.memory_space<semaphore_mem>>) src(%dma_wait3A_297 : memref<128x128xf32, #tpu.memory_space<vmem>>) dst(%dma_wait3A_303 : memref<5248x128xf32, #tpu.memory_space<vmem_shared>>)
      %add3A_304 = arith.constant 1 : i32
      %add3A_305 = arith.addi %add3A_268, %add3A_304 : i32
      %dma_start3A_306 = arith.constant 1 : i32
      %dma_start3A_307 = arith.constant 0 : i32
      %dma_start3A_308 = arith.constant 0 : i32
      %dma_start3A_309 = tpu.memref_slice %arg9[%dma_start3A_306, %dma_start3A_307, %dma_start3A_308] : memref<2x128x128xf32, #tpu.memory_space<vmem>> -> memref<1x128x128xf32, #tpu.memory_space<vmem>>
      %dma_start3A_310 = tpu.memref_squeeze %dma_start3A_309 : memref<1x128x128xf32, #tpu.memory_space<vmem>> -> memref<128x128xf32, #tpu.memory_space<vmem>>
      %dma_start3A_311 = arith.constant 0 : i32
      %dma_start3A_312 = tpu.memref_slice %arg7[%add3A_305, %dma_start3A_311] : memref<157x128xi32, #tpu.memory_space<vmem>> -> memref<1x128xi32, #tpu.memory_space<vmem>>
      %dma_start3A_313 = tpu.memref_squeeze %dma_start3A_312 : memref<1x128xi32, #tpu.memory_space<vmem>> -> memref<128xi32, #tpu.memory_space<vmem>>
      %dma_start3A_314 = arith.constant 0 : i32
      %dma_start3A_315 = arith.constant 0 : i32
      %dma_start3A_316 = tpu.memref_slice %arg2[%dma_start3A_314, %dma_start3A_315] : memref<10000x128xf32, #tpu.memory_space<hbm>> -> memref<10000x128xf32, #tpu.memory_space<hbm>>
      tpu.enqueue_indirect_dma source(%dma_start3A_316 : memref<10000x128xf32, #tpu.memory_space<hbm>>) target(%dma_start3A_310 : memref<128x128xf32, #tpu.memory_space<vmem>>) offsets(%dma_start3A_313 : memref<128xi32, #tpu.memory_space<vmem>>) semaphore(%arg12 : memref<!tpu.dma_semaphore, #tpu.memory_space<semaphore_mem>>)
      %scan3A_317 = arith.constant 0 : i32
      scf.yield %scan3A_317 : i32
    }
    %scan3A_108 = arith.constant 77 : i32
    %dma_wait3A_109 = arith.constant 155 : i32
    %dma_wait3A_110 = arith.constant 1 : i32
    %dma_wait3A_111 = arith.constant 0 : i32
    %dma_wait3A_112 = arith.constant 0 : i32
    %dma_wait3A_113 = tpu.memref_slice %arg9[%dma_wait3A_110, %dma_wait3A_111, %dma_wait3A_112] : memref<2x128x128xf32, #tpu.memory_space<vmem>> -> memref<1x128x128xf32, #tpu.memory_space<vmem>>
    %dma_wait3A_114 = tpu.memref_squeeze %dma_wait3A_113 : memref<1x128x128xf32, #tpu.memory_space<vmem>> -> memref<128x128xf32, #tpu.memory_space<vmem>>
    %dma_wait3A_115 = arith.constant 0 : i32
    %dma_wait3A_116 = tpu.memref_slice %arg7[%dma_wait3A_109, %dma_wait3A_115] : memref<157x128xi32, #tpu.memory_space<vmem>> -> memref<1x128xi32, #tpu.memory_space<vmem>>
    %dma_wait3A_117 = tpu.memref_squeeze %dma_wait3A_116 : memref<1x128xi32, #tpu.memory_space<vmem>> -> memref<128xi32, #tpu.memory_space<vmem>>
    %dma_wait3A_118 = arith.constant 0 : i32
    %dma_wait3A_119 = arith.constant 0 : i32
    %dma_wait3A_120 = tpu.memref_slice %arg2[%dma_wait3A_118, %dma_wait3A_119] : memref<10000x128xf32, #tpu.memory_space<hbm>> -> memref<10000x128xf32, #tpu.memory_space<hbm>>
    tpu.wait_indirect_dma semaphore(%arg12 : memref<!tpu.dma_semaphore, #tpu.memory_space<semaphore_mem>>) src(%dma_wait3A_120 : memref<10000x128xf32, #tpu.memory_space<hbm>>) dst(%dma_wait3A_114 : memref<128x128xf32, #tpu.memory_space<vmem>>)
    %dma_start3A_121 = arith.constant 1 : i32
    %dma_start3A_122 = arith.constant 155 : i32
    %dma_start3A_123 = arith.constant 0 : i32
    %dma_start3A_124 = arith.constant 0 : i32
    %dma_start3A_125 = tpu.memref_slice %arg9[%dma_start3A_121, %dma_start3A_123, %dma_start3A_124] : memref<2x128x128xf32, #tpu.memory_space<vmem>> -> memref<1x128x128xf32, #tpu.memory_space<vmem>>
    %dma_start3A_126 = tpu.memref_squeeze %dma_start3A_125 : memref<1x128x128xf32, #tpu.memory_space<vmem>> -> memref<128x128xf32, #tpu.memory_space<vmem>>
    %dma_start3A_127 = arith.constant 0 : i32
    %dma_start3A_128 = tpu.memref_slice %arg8[%dma_start3A_122, %dma_start3A_127] : memref<157x128xi32, #tpu.memory_space<vmem>> -> memref<1x128xi32, #tpu.memory_space<vmem>>
    %dma_start3A_129 = tpu.memref_squeeze %dma_start3A_128 : memref<1x128xi32, #tpu.memory_space<vmem>> -> memref<128xi32, #tpu.memory_space<vmem>>
    %dma_start3A_130 = arith.constant 0 : i32
    %dma_start3A_131 = arith.constant 0 : i32
    %dma_start3A_132 = tpu.memref_slice %arg10[%dma_start3A_130, %dma_start3A_131] : memref<5248x128xf32, #tpu.memory_space<vmem_shared>> -> memref<5248x128xf32, #tpu.memory_space<vmem_shared>>
    tpu.enqueue_indirect_dma source(%dma_start3A_126 : memref<128x128xf32, #tpu.memory_space<vmem>>) target(%dma_start3A_132 : memref<5248x128xf32, #tpu.memory_space<vmem_shared>>) offsets(%dma_start3A_129 : memref<128xi32, #tpu.memory_space<vmem>>) semaphore(%arg14 : memref<!tpu.dma_semaphore, #tpu.memory_space<semaphore_mem>>) {add = true}
    %dma_wait3A_133 = arith.constant 0 : i32
    %dma_wait3A_134 = arith.constant 154 : i32
    %dma_wait3A_135 = arith.constant 0 : i32
    %dma_wait3A_136 = arith.constant 0 : i32
    %dma_wait3A_137 = tpu.memref_slice %arg9[%dma_wait3A_133, %dma_wait3A_135, %dma_wait3A_136] : memref<2x128x128xf32, #tpu.memory_space<vmem>> -> memref<1x128x128xf32, #tpu.memory_space<vmem>>
    %dma_wait3A_138 = tpu.memref_squeeze %dma_wait3A_137 : memref<1x128x128xf32, #tpu.memory_space<vmem>> -> memref<128x128xf32, #tpu.memory_space<vmem>>
    %dma_wait3A_139 = arith.constant 0 : i32
    %dma_wait3A_140 = tpu.memref_slice %arg8[%dma_wait3A_134, %dma_wait3A_139] : memref<157x128xi32, #tpu.memory_space<vmem>> -> memref<1x128xi32, #tpu.memory_space<vmem>>
    %dma_wait3A_141 = tpu.memref_squeeze %dma_wait3A_140 : memref<1x128xi32, #tpu.memory_space<vmem>> -> memref<128xi32, #tpu.memory_space<vmem>>
    %dma_wait3A_142 = arith.constant 0 : i32
    %dma_wait3A_143 = arith.constant 0 : i32
    %dma_wait3A_144 = tpu.memref_slice %arg10[%dma_wait3A_142, %dma_wait3A_143] : memref<5248x128xf32, #tpu.memory_space<vmem_shared>> -> memref<5248x128xf32, #tpu.memory_space<vmem_shared>>
    tpu.wait_indirect_dma semaphore(%arg13 : memref<!tpu.dma_semaphore, #tpu.memory_space<semaphore_mem>>) src(%dma_wait3A_138 : memref<128x128xf32, #tpu.memory_space<vmem>>) dst(%dma_wait3A_144 : memref<5248x128xf32, #tpu.memory_space<vmem_shared>>)
    %dma_start3A_145 = arith.constant 156 : i32
    %dma_start3A_146 = arith.constant 0 : i32
    %dma_start3A_147 = arith.constant 0 : i32
    %dma_start3A_148 = arith.constant 0 : i32
    %dma_start3A_149 = tpu.memref_slice %arg9[%dma_start3A_146, %dma_start3A_147, %dma_start3A_148] : memref<2x128x128xf32, #tpu.memory_space<vmem>> -> memref<1x128x128xf32, #tpu.memory_space<vmem>>
    %dma_start3A_150 = tpu.memref_squeeze %dma_start3A_149 : memref<1x128x128xf32, #tpu.memory_space<vmem>> -> memref<128x128xf32, #tpu.memory_space<vmem>>
    %dma_start3A_151 = arith.constant 0 : i32
    %dma_start3A_152 = tpu.memref_slice %arg7[%dma_start3A_145, %dma_start3A_151] : memref<157x128xi32, #tpu.memory_space<vmem>> -> memref<1x128xi32, #tpu.memory_space<vmem>>
    %dma_start3A_153 = tpu.memref_squeeze %dma_start3A_152 : memref<1x128xi32, #tpu.memory_space<vmem>> -> memref<128xi32, #tpu.memory_space<vmem>>
    %dma_start3A_154 = arith.constant 0 : i32
    %dma_start3A_155 = arith.constant 0 : i32
    %dma_start3A_156 = tpu.memref_slice %arg2[%dma_start3A_154, %dma_start3A_155] : memref<10000x128xf32, #tpu.memory_space<hbm>> -> memref<10000x128xf32, #tpu.memory_space<hbm>>
    tpu.enqueue_indirect_dma source(%dma_start3A_156 : memref<10000x128xf32, #tpu.memory_space<hbm>>) target(%dma_start3A_150 : memref<128x128xf32, #tpu.memory_space<vmem>>) offsets(%dma_start3A_153 : memref<128xi32, #tpu.memory_space<vmem>>) semaphore(%arg11 : memref<!tpu.dma_semaphore, #tpu.memory_space<semaphore_mem>>)
    %dma_wait3A_157 = arith.constant 156 : i32
    %dma_wait3A_158 = arith.constant 0 : i32
    %dma_wait3A_159 = arith.constant 0 : i32
    %dma_wait3A_160 = arith.constant 0 : i32
    %dma_wait3A_161 = tpu.memref_slice %arg9[%dma_wait3A_158, %dma_wait3A_159, %dma_wait3A_160] : memref<2x128x128xf32, #tpu.memory_space<vmem>> -> memref<1x128x128xf32, #tpu.memory_space<vmem>>
    %dma_wait3A_162 = tpu.memref_squeeze %dma_wait3A_161 : memref<1x128x128xf32, #tpu.memory_space<vmem>> -> memref<128x128xf32, #tpu.memory_space<vmem>>
    %dma_wait3A_163 = arith.constant 0 : i32
    %dma_wait3A_164 = tpu.memref_slice %arg7[%dma_wait3A_157, %dma_wait3A_163] : memref<157x128xi32, #tpu.memory_space<vmem>> -> memref<1x128xi32, #tpu.memory_space<vmem>>
    %dma_wait3A_165 = tpu.memref_squeeze %dma_wait3A_164 : memref<1x128xi32, #tpu.memory_space<vmem>> -> memref<128xi32, #tpu.memory_space<vmem>>
    %dma_wait3A_166 = arith.constant 0 : i32
    %dma_wait3A_167 = arith.constant 0 : i32
    %dma_wait3A_168 = tpu.memref_slice %arg2[%dma_wait3A_166, %dma_wait3A_167] : memref<10000x128xf32, #tpu.memory_space<hbm>> -> memref<10000x128xf32, #tpu.memory_space<hbm>>
    tpu.wait_indirect_dma semaphore(%arg11 : memref<!tpu.dma_semaphore, #tpu.memory_space<semaphore_mem>>) src(%dma_wait3A_168 : memref<10000x128xf32, #tpu.memory_space<hbm>>) dst(%dma_wait3A_162 : memref<128x128xf32, #tpu.memory_space<vmem>>)
    %dma_start3A_169 = arith.constant 0 : i32
    %dma_start3A_170 = arith.constant 156 : i32
    %dma_start3A_171 = arith.constant 0 : i32
    %dma_start3A_172 = arith.constant 0 : i32
    %dma_start3A_173 = tpu.memref_slice %arg9[%dma_start3A_169, %dma_start3A_171, %dma_start3A_172] : memref<2x128x128xf32, #tpu.memory_space<vmem>> -> memref<1x128x128xf32, #tpu.memory_space<vmem>>
    %dma_start3A_174 = tpu.memref_squeeze %dma_start3A_173 : memref<1x128x128xf32, #tpu.memory_space<vmem>> -> memref<128x128xf32, #tpu.memory_space<vmem>>
    %dma_start3A_175 = arith.constant 0 : i32
    %dma_start3A_176 = tpu.memref_slice %arg8[%dma_start3A_170, %dma_start3A_175] : memref<157x128xi32, #tpu.memory_space<vmem>> -> memref<1x128xi32, #tpu.memory_space<vmem>>
    %dma_start3A_177 = tpu.memref_squeeze %dma_start3A_176 : memref<1x128xi32, #tpu.memory_space<vmem>> -> memref<128xi32, #tpu.memory_space<vmem>>
    %dma_start3A_178 = arith.constant 0 : i32
    %dma_start3A_179 = arith.constant 0 : i32
    %dma_start3A_180 = tpu.memref_slice %arg10[%dma_start3A_178, %dma_start3A_179] : memref<5248x128xf32, #tpu.memory_space<vmem_shared>> -> memref<5248x128xf32, #tpu.memory_space<vmem_shared>>
    tpu.enqueue_indirect_dma source(%dma_start3A_174 : memref<128x128xf32, #tpu.memory_space<vmem>>) target(%dma_start3A_180 : memref<5248x128xf32, #tpu.memory_space<vmem_shared>>) offsets(%dma_start3A_177 : memref<128xi32, #tpu.memory_space<vmem>>) semaphore(%arg13 : memref<!tpu.dma_semaphore, #tpu.memory_space<semaphore_mem>>) {add = true}
    %dma_wait3A_181 = arith.constant 1 : i32
    %dma_wait3A_182 = arith.constant 155 : i32
    %dma_wait3A_183 = arith.constant 0 : i32
    %dma_wait3A_184 = arith.constant 0 : i32
    %dma_wait3A_185 = tpu.memref_slice %arg9[%dma_wait3A_181, %dma_wait3A_183, %dma_wait3A_184] : memref<2x128x128xf32, #tpu.memory_space<vmem>> -> memref<1x128x128xf32, #tpu.memory_space<vmem>>
    %dma_wait3A_186 = tpu.memref_squeeze %dma_wait3A_185 : memref<1x128x128xf32, #tpu.memory_space<vmem>> -> memref<128x128xf32, #tpu.memory_space<vmem>>
    %dma_wait3A_187 = arith.constant 0 : i32
    %dma_wait3A_188 = tpu.memref_slice %arg8[%dma_wait3A_182, %dma_wait3A_187] : memref<157x128xi32, #tpu.memory_space<vmem>> -> memref<1x128xi32, #tpu.memory_space<vmem>>
    %dma_wait3A_189 = tpu.memref_squeeze %dma_wait3A_188 : memref<1x128xi32, #tpu.memory_space<vmem>> -> memref<128xi32, #tpu.memory_space<vmem>>
    %dma_wait3A_190 = arith.constant 0 : i32
    %dma_wait3A_191 = arith.constant 0 : i32
    %dma_wait3A_192 = tpu.memref_slice %arg10[%dma_wait3A_190, %dma_wait3A_191] : memref<5248x128xf32, #tpu.memory_space<vmem_shared>> -> memref<5248x128xf32, #tpu.memory_space<vmem_shared>>
    tpu.wait_indirect_dma semaphore(%arg14 : memref<!tpu.dma_semaphore, #tpu.memory_space<semaphore_mem>>) src(%dma_wait3A_186 : memref<128x128xf32, #tpu.memory_space<vmem>>) dst(%dma_wait3A_192 : memref<5248x128xf32, #tpu.memory_space<vmem_shared>>)
    %dma_wait3A_193 = arith.constant 0 : i32
    %dma_wait3A_194 = arith.constant 156 : i32
    %dma_wait3A_195 = arith.constant 0 : i32
    %dma_wait3A_196 = arith.constant 0 : i32
    %dma_wait3A_197 = tpu.memref_slice %arg9[%dma_wait3A_193, %dma_wait3A_195, %dma_wait3A_196] : memref<2x128x128xf32, #tpu.memory_space<vmem>> -> memref<1x128x128xf32, #tpu.memory_space<vmem>>
    %dma_wait3A_198 = tpu.memref_squeeze %dma_wait3A_197 : memref<1x128x128xf32, #tpu.memory_space<vmem>> -> memref<128x128xf32, #tpu.memory_space<vmem>>
    %dma_wait3A_199 = arith.constant 0 : i32
    %dma_wait3A_200 = tpu.memref_slice %arg8[%dma_wait3A_194, %dma_wait3A_199] : memref<157x128xi32, #tpu.memory_space<vmem>> -> memref<1x128xi32, #tpu.memory_space<vmem>>
    %dma_wait3A_201 = tpu.memref_squeeze %dma_wait3A_200 : memref<1x128xi32, #tpu.memory_space<vmem>> -> memref<128xi32, #tpu.memory_space<vmem>>
    %dma_wait3A_202 = arith.constant 0 : i32
    %dma_wait3A_203 = arith.constant 0 : i32
    %dma_wait3A_204 = tpu.memref_slice %arg10[%dma_wait3A_202, %dma_wait3A_203] : memref<5248x128xf32, #tpu.memory_space<vmem_shared>> -> memref<5248x128xf32, #tpu.memory_space<vmem_shared>>
    tpu.wait_indirect_dma semaphore(%arg13 : memref<!tpu.dma_semaphore, #tpu.memory_space<semaphore_mem>>) src(%dma_wait3A_198 : memref<128x128xf32, #tpu.memory_space<vmem>>) dst(%dma_wait3A_204 : memref<5248x128xf32, #tpu.memory_space<vmem_shared>>)
    %barrier3A_205 = arith.constant 0 : index
    tpu.barrier barrier_id(%barrier3A_205)
    %mul3A_206 = arith.constant 320 : i32
    %mul3A_207 = arith.muli %arg1, %mul3A_206 : i32
    %mul3A_208 = arith.constant 5120 : i32
    %mul3A_209 = arith.muli %arg0, %mul3A_208 : i32
    %mul3A_210 = arith.constant 320 : i32
    %mul3A_211 = arith.muli %arg1, %mul3A_210 : i32
    %add3A = arith.addi %mul3A_209, %mul3A_211 : i32
    "tpu.region"() ({
      %run_scoped3A = tpu.sem_alloc : memref<!tpu.dma_semaphore, #tpu.memory_space<semaphore_mem>>
      %dma_start3A_212 = arith.constant 0 : i32
      %dma_start3A_213 = tpu.memref_slice %arg6[%add3A, %dma_start3A_212] : memref<10240x128xf32, #tpu.memory_space<hbm>> -> memref<320x128xf32, #tpu.memory_space<hbm>>
      %dma_start3A_214 = arith.constant 0 : i32
      %dma_start3A_215 = tpu.memref_slice %arg10[%mul3A_207, %dma_start3A_214] : memref<5248x128xf32, #tpu.memory_space<vmem_shared>> -> memref<320x128xf32, #tpu.memory_space<vmem_shared>>
      tpu.enqueue_dma source(%dma_start3A_215 : memref<320x128xf32, #tpu.memory_space<vmem_shared>>) target(%dma_start3A_213 : memref<320x128xf32, #tpu.memory_space<hbm>>) target_semaphore(%run_scoped3A : memref<!tpu.dma_semaphore, #tpu.memory_space<semaphore_mem>>)
      %dma_wait3A_216 = arith.constant 0 : i32
      %dma_wait3A_217 = tpu.memref_slice %arg6[%add3A, %dma_wait3A_216] : memref<10240x128xf32, #tpu.memory_space<hbm>> -> memref<320x128xf32, #tpu.memory_space<hbm>>
      %dma_wait3A_218 = arith.constant 0 : i32
      %dma_wait3A_219 = tpu.memref_slice %arg10[%mul3A_207, %dma_wait3A_218] : memref<5248x128xf32, #tpu.memory_space<vmem_shared>> -> memref<320x128xf32, #tpu.memory_space<vmem_shared>>
      tpu.wait_dma2 semaphore(%run_scoped3A : memref<!tpu.dma_semaphore, #tpu.memory_space<semaphore_mem>>) src(%dma_wait3A_219 : memref<320x128xf32, #tpu.memory_space<vmem_shared>>) dst(%dma_wait3A_217 : memref<320x128xf32, #tpu.memory_space<hbm>>)
      tpu.yield
    }) : () -> ()
    return
  }
}

module attributes {stable_mosaic.version = 14 : i64} {
  func.func @_mm_body(%arg0: i32, %arg1: memref<10000x128xf32, #tpu.memory_space<vmem>>, %arg2: memref<128x128xf32, #tpu.memory_space<vmem>>, %arg3: memref<10000x128xf32, #tpu.memory_space<vmem>>) attributes {dimension_semantics = [#tpu.dimension_semantics<arbitrary>], iteration_bounds = array<i64: 1>, scalar_prefetch = 0 : i64, scratch_operands = 0 : i64, tpu.core_type = #tpu.core_type<tc>, window_params = [{transform_indices = @transform_0, window_bounds = array<i64: 10000, 128>}, {pipeline_mode = #tpu.pipeline_mode<synchronous>, transform_indices = @transform_1, window_bounds = array<i64: 128, 128>}, {transform_indices = @transform_2, window_bounds = array<i64: 10000, 128>}]} {
    %get3A = arith.constant 0 : index
    %get3A_0 = arith.constant 0 : index
    %get3A_1 = vector.load %arg1[%get3A, %get3A_0] : memref<10000x128xf32, #tpu.memory_space<vmem>>, vector<10000x128xf32>
    %get3A_2 = arith.constant 0 : index
    %get3A_3 = arith.constant 0 : index
    %get3A_4 = vector.load %arg2[%get3A_2, %get3A_3] : memref<128x128xf32, #tpu.memory_space<vmem>>, vector<128x128xf32>
    %dot_general3A = arith.constant dense<0.000000e+00> : vector<10000x128xf32>
    %dot_general3A_5 = tpu.matmul %get3A_1, %get3A_4, %dot_general3A {dimension_numbers = #tpu.dot_dimension_numbers<[1], [0], [0], [1], [0, 0, 1, 1], [], []>, transpose_lhs_hint = false} : vector<10000x128xf32>, vector<128x128xf32>, vector<10000x128xf32> -> vector<10000x128xf32>
    %swap3A = arith.constant 0 : index
    %swap3A_6 = arith.constant 0 : index
    %swap3A_7 = vector.load %arg3[%swap3A, %swap3A_6] : memref<10000x128xf32, #tpu.memory_space<vmem>>, vector<10000x128xf32>
    tpu.vector_store %arg3[%swap3A, %swap3A_6], %dot_general3A_5 {strides = array<i32>} : memref<10000x128xf32, #tpu.memory_space<vmem>>, vector<10000x128xf32>,
    return
  }
  func.func @transform_0(%arg0: i32) -> (i32, i32) {
    %c0_i32 = arith.constant 0 : i32
    %c0_i32_0 = arith.constant 0 : i32
    return %arg0, %c0_i32 : i32, i32
  }
  func.func @transform_1(%arg0: i32) -> (i32, i32) {
    %c0_i32 = arith.constant 0 : i32
    %c0_i32_0 = arith.constant 0 : i32
    %c0_i32_1 = arith.constant 0 : i32
    return %c0_i32, %c0_i32_0 : i32, i32
  }
  func.func @transform_2(%arg0: i32) -> (i32, i32) {
    %c0_i32 = arith.constant 0 : i32
    %c0_i32_0 = arith.constant 0 : i32
    return %arg0, %c0_i32 : i32, i32
  }
}

module attributes {stable_mosaic.version = 14 : i64} {
  func.func @_fuse_body(%arg0: i32, %arg1: memref<10000x128xf32, #tpu.memory_space<vmem>>, %arg2: memref<1x128xf32, #tpu.memory_space<vmem>>, %arg3: memref<128x128xf32, #tpu.memory_space<vmem>>, %arg4: memref<10000x128xf32, #tpu.memory_space<vmem>>) attributes {dimension_semantics = [#tpu.dimension_semantics<arbitrary>], iteration_bounds = array<i64: 1>, scalar_prefetch = 0 : i64, scratch_operands = 0 : i64, tpu.core_type = #tpu.core_type<tc>, window_params = [{transform_indices = @transform_0, window_bounds = array<i64: 10000, 128>}, {pipeline_mode = #tpu.pipeline_mode<synchronous>, transform_indices = @transform_1, window_bounds = array<i64: 1, 128>}, {pipeline_mode = #tpu.pipeline_mode<synchronous>, transform_indices = @transform_2, window_bounds = array<i64: 128, 128>}, {transform_indices = @transform_3, window_bounds = array<i64: 10000, 128>}]} {
    %get3A = arith.constant 0 : index
    %get3A_0 = arith.constant 0 : index
    %get3A_1 = vector.load %arg1[%get3A, %get3A_0] : memref<10000x128xf32, #tpu.memory_space<vmem>>, vector<10000x128xf32>
    %get3A_2 = arith.constant 0 : index
    %get3A_3 = arith.constant 0 : index
    %get3A_4 = vector.load %arg2[%get3A_2, %get3A_3] : memref<1x128xf32, #tpu.memory_space<vmem>>, vector<1x128xf32>
    %add3A = vector.broadcast %get3A_4 : vector<1x128xf32> to vector<10000x128xf32>
    %add3A_5 = arith.addf %get3A_1, %add3A : vector<10000x128xf32>
    %max3A = arith.constant 0.000000e+00 : f32
    %max3A_6 = vector.broadcast %max3A : f32 to vector<10000x128xf32>
    %max3A_7 = arith.maximumf %add3A_5, %max3A_6 : vector<10000x128xf32>
    %get3A_8 = arith.constant 0 : index
    %get3A_9 = arith.constant 0 : index
    %get3A_10 = vector.load %arg3[%get3A_8, %get3A_9] : memref<128x128xf32, #tpu.memory_space<vmem>>, vector<128x128xf32>
    %dot_general3A = arith.constant dense<0.000000e+00> : vector<10000x128xf32>
    %dot_general3A_11 = tpu.matmul %max3A_7, %get3A_10, %dot_general3A {dimension_numbers = #tpu.dot_dimension_numbers<[1], [0], [0], [1], [0, 0, 1, 1], [], []>, transpose_lhs_hint = false} : vector<10000x128xf32>, vector<128x128xf32>, vector<10000x128xf32> -> vector<10000x128xf32>
    %swap3A = arith.constant 0 : index
    %swap3A_12 = arith.constant 0 : index
    %swap3A_13 = vector.load %arg4[%swap3A, %swap3A_12] : memref<10000x128xf32, #tpu.memory_space<vmem>>, vector<10000x128xf32>
    tpu.vector_store %arg4[%swap3A, %swap3A_12], %dot_general3A_11 {strides = array<i32>} : memref<10000x128xf32, #tpu.memory_space<vmem>>, vector<10000x128xf32>,
    return
  }
  func.func @transform_0(%arg0: i32) -> (i32, i32) {
    %c0_i32 = arith.constant 0 : i32
    %c0_i32_0 = arith.constant 0 : i32
    return %arg0, %c0_i32 : i32, i32
  }
  func.func @transform_1(%arg0: i32) -> (i32, i32) {
    %c0_i32 = arith.constant 0 : i32
    %c0_i32_0 = arith.constant 0 : i32
    %c0_i32_1 = arith.constant 0 : i32
    return %c0_i32, %c0_i32_0 : i32, i32
  }
  func.func @transform_2(%arg0: i32) -> (i32, i32) {
    %c0_i32 = arith.constant 0 : i32
    %c0_i32_0 = arith.constant 0 : i32
    %c0_i32_1 = arith.constant 0 : i32
    return %c0_i32, %c0_i32_0 : i32, i32
  }
  func.func @transform_3(%arg0: i32) -> (i32, i32) {
    %c0_i32 = arith.constant 0 : i32
    %c0_i32_0 = arith.constant 0 : i32
    return %arg0, %c0_i32 : i32, i32
  }
}

module attributes {stable_mosaic.version = 14 : i64} {
  func.func @_sum_body(%arg0: i32, %arg1: memref<10000x128xf32, #tpu.memory_space<vmem>>, %arg2: memref<1x128xf32, #tpu.memory_space<vmem>>, %arg3: memref<10000x128xf32, #tpu.memory_space<vmem>>) attributes {dimension_semantics = [#tpu.dimension_semantics<arbitrary>], iteration_bounds = array<i64: 1>, scalar_prefetch = 0 : i64, scratch_operands = 0 : i64, tpu.core_type = #tpu.core_type<tc>, window_params = [{transform_indices = @transform_0, window_bounds = array<i64: 10000, 128>}, {pipeline_mode = #tpu.pipeline_mode<synchronous>, transform_indices = @transform_1, window_bounds = array<i64: 1, 128>}, {transform_indices = @transform_2, window_bounds = array<i64: 10000, 128>}]} {
    %get3A = arith.constant 0 : index
    %get3A_0 = arith.constant 0 : index
    %get3A_1 = vector.load %arg1[%get3A, %get3A_0] : memref<10000x128xf32, #tpu.memory_space<vmem>>, vector<10000x128xf32>
    %get3A_2 = arith.constant 0 : index
    %get3A_3 = arith.constant 0 : index
    %get3A_4 = vector.load %arg2[%get3A_2, %get3A_3] : memref<1x128xf32, #tpu.memory_space<vmem>>, vector<1x128xf32>
    %add3A = vector.broadcast %get3A_4 : vector<1x128xf32> to vector<10000x128xf32>
    %add3A_5 = arith.addf %get3A_1, %add3A : vector<10000x128xf32>
    %swap3A = arith.constant 0 : index
    %swap3A_6 = arith.constant 0 : index
    %swap3A_7 = vector.load %arg3[%swap3A, %swap3A_6] : memref<10000x128xf32, #tpu.memory_space<vmem>>, vector<10000x128xf32>
    tpu.vector_store %arg3[%swap3A, %swap3A_6], %add3A_5 {strides = array<i32>} : memref<10000x128xf32, #tpu.memory_space<vmem>>, vector<10000x128xf32>,
    return
  }
  func.func @transform_0(%arg0: i32) -> (i32, i32) {
    %c0_i32 = arith.constant 0 : i32
    %c0_i32_0 = arith.constant 0 : i32
    return %arg0, %c0_i32 : i32, i32
  }
  func.func @transform_1(%arg0: i32) -> (i32, i32) {
    %c0_i32 = arith.constant 0 : i32
    %c0_i32_0 = arith.constant 0 : i32
    %c0_i32_1 = arith.constant 0 : i32
    return %c0_i32, %c0_i32_0 : i32, i32
  }
  func.func @transform_2(%arg0: i32) -> (i32, i32) {
    %c0_i32 = arith.constant 0 : i32
    %c0_i32_0 = arith.constant 0 : i32
    return %arg0, %c0_i32 : i32, i32
  }
}

</mosaic_0001>

<sc_bundles>
// kernel: kernel.10.cloned.1.call-start
scs
__scs_entry_jumppad:
0x0: {  	(pc) =	sbr.rel $0x88, $3  }
0x1: {  	(tag) =	ssettag $0x0;
	lr =	simm.s32 $0x1  }
0x2: {  	[smem:$0x3F9B] =	sst lr;
	_ =	strace $0xD0000000  }
0x3: {  	_ = 	snop  }
0x4: {  	_ = 	snop  }
0x5: {  	_ = 	snop  }
0x6: {  	_ = 	snop  }
0x7: {  	_ = 	snop  }
__scs_overlays_trampoline_lowered:
0x8: {  	[smem:$0x3FAA] =	sst s0  }
0x9: {  	[smem:$0x3FAB] =	sst s1  }
0xa: {  	[smem:$0x3FAC] =	sst s2  }
0xb: {  	[smem:$0x3FAD] =	sst s3  }
0xc: {  	[smem:$0x3FAE] =	sst s4  }
0xd: {  	[smem:$0x3FAF] =	sst s5  }
0xe: {  	[smem:$0x3FB0] =	sst s6  }
0xf: {  	[smem:$0x3FB1] =	sst s7  }
0x10: {  	[smem:$0x3FB2] =	sst s8  }
0x11: {  	[smem:$0x3FB3] =	sst s9;
	s0 =	simm.s32 @!p0 $0x0  }
0x12: {  	s1 =	sld [smem:$0x3F99];
	s0 =	simm.s32 @p0 $0x1  }
0x13: {  	[smem:$0x3FB4] =	sst s0;
	s0 =	simm.s32 @!p1 $0x0  }
0x14: {  	s2 =	sld [smem:$0x3F98];
	s0 =	simm.s32 @p1 $0x1  }
0x15: {  	[smem:$0x3FB5] =	sst s0;
	s0 =	simm.s32 @!p2 $0x0  }
0x16: {  	s3 =	sld [smem:$0x3FDB];
	s0 =	simm.s32 @p2 $0x1  }
0x17: {  	s4 =	simm.s32 $0x1BF5;
	[smem:$0x3FB7] =	sst s0  }
0x18: {  	s0 =	sld [smem:$0x3F9A];
	_ =	swait.ge [sflag:s4], $0x0  }
0x19: {  	s7 =	sld [smem:$0x3F9B]  }
0x1a: {  	s8 =	sadd.s32 $0xFFFFE003, lr  }
0x1b: {  	s9 =	sadd.s32 $0xFFFFFEF7, lr;
	s5 =	simm.s32 $0xFFFFFFFF;
	p2 =	slt.u32 s8, $0xFFFFF086  }
0x1c: {  	p1 =	slt.u32 s9, $0xF7A;
	s5 =	simm.s32 @!p2 $0x0  }
0x1d: {  	s5 =	simm.s32 @p1 $0x1;
	p0 =	seq.s32 s7, s2  }
0x1e: {  	s7 =	smul.u32 @!p0 $0xF7A, s2;
	p2 =	seq.s32 @!p0 s5, $0x0  }
0x1f: {  	s9 =	smul.u32 $0xF7A, s1;
	s8 =	simm.s32 @!p0 $0x1BF5;
	p2 =	por !p2, p0  }
0x20: {  	[sflag:s8] =	ssyncset.s32 @!p0 $0xFFFFF086;
	s6 =	sadd.s32 @!p0 s3, s7;
	s7 =	simm.s32 @!p0 $0x108  }
0x21: {  	s3 =	sadd.s32 s3, s9;
	s6 =	sadd.s32 @!p0 $0x88, s6;
	s7 =	simm.s32 @p2 $0x1082  }
0x22: {  	[simem:s7], [sflag:s8] =	dma.local @!p0 [hbm:s6], $0xF7A  }
0x23: {  	s9 =	sor.u32 $0xD0000000, s2;
	s6 =	simm.s32 $0x108;
	_ =	swait.ge @!p0 [sflag:s8], $0x0  }
0x24: {  	s3 =	sadd.s32 $0x88, s3;
	s6 =	simm.s32 @!p1 $0x1082;
	[sflag:s4] =	ssyncset.s32 $0xFFFFF086  }
0x25: {  	[simem:s6], [sflag:s4] =	dma.local [hbm:s3], $0xF7A  }
0x26: {  	[smem:$0x3F9B] =	sst s1;
	(tag) =	ssettag s2;
	_ =	strace s9  }
0x27: {  	s1 =	sld [smem:$0x3FAB]  }
0x28: {  	s2 =	sld [smem:$0x3FAC]  }
0x29: {  	s4 =	sld [smem:$0x3FAE]  }
0x2a: {  	p0 =	seq.s32 s5, $0x0;
	s5 =	sld [smem:$0x3FAF]  }
0x2b: {  	s6 =	sld [smem:$0x3FB0]  }
0x2c: {  	s7 =	sld [smem:$0x3FB1]  }
0x2d: {  	s3 =	simm.s32 $0x108;
	s8 =	sld [smem:$0x3FB2]  }
0x2e: {  	s3 =	simm.s32 @!p0 $0x1082;
	s9 =	sld [smem:$0x3FB3]  }
0x2f: {  	lr =	sadd.s32 s0, s3;
	s0 =	sld [smem:$0x3FAA]  }
0x30: {  	s3 =	sld [smem:$0x3FAD]  }
0x31: {  	[smem:$0x3FB6] =	sst s10  }
0x32: {  	s10 =	sld [smem:$0x3FB4];
	_ =	sdelay $0x3  }
0x33: {  	p0 =	seq.s32 s10, $0x1;
	s10 =	sld [smem:$0x3FB6];
	_ =	sdelay $0x3  }
0x34: {  	[smem:$0x3FB6] =	sst s10  }
0x35: {  	s10 =	sld [smem:$0x3FB5];
	_ =	sdelay $0x3  }
0x36: {  	p1 =	seq.s32 s10, $0x1;
	s10 =	sld [smem:$0x3FB6];
	_ =	sdelay $0x3  }
0x37: {  	[smem:$0x3FB6] =	sst s10  }
0x38: {  	s10 =	sld [smem:$0x3FB7]  }
0x39: {  	_ = 	snop;
	(pc) =	sbr.ind lr, $3  }
0x3a: {  	_ = 	snop  }
0x3b: {  	_ = 	snop  }
0x3c: {  	p2 =	seq.s32 s10, $0x1;
	s10 =	sld [smem:$0x3FB6]  }
0x3d: {  	_ =	shalt  }
0x3e: {  	_ =	shalt  }
0x3f: {  	_ =	shalt  }
0x40: {  	_ =	shalt  }
0x41: {  	_ =	shalt  }
0x42: {  	_ =	shalt  }
0x43: {  	_ =	shalt  }
0x44: {  	_ =	shalt  }
0x45: {  	_ =	shalt  }
0x46: {  	_ =	shalt  }
0x47: {  	_ =	shalt  }
0x48: {  	_ =	shalt  }
0x49: {  	_ =	shalt  }
0x4a: {  	_ =	shalt  }
0x4b: {  	_ =	shalt  }
0x4c: {  	_ =	shalt  }
0x4d: {  	_ =	shalt  }
0x4e: {  	_ =	shalt  }
0x4f: {  	_ =	shalt  }
0x50: {  	_ =	shalt  }
0x51: {  	_ =	shalt  }
0x52: {  	_ =	shalt  }
0x53: {  	_ =	shalt  }
0x54: {  	_ =	shalt  }
0x55: {  	_ =	shalt  }
0x56: {  	_ =	shalt  }
0x57: {  	_ =	shalt  }
0x58: {  	_ =	shalt  }
0x59: {  	_ =	shalt  }
0x5a: {  	_ =	shalt  }
0x5b: {  	_ =	shalt  }
0x5c: {  	_ =	shalt  }
0x5d: {  	_ =	shalt  }
0x5e: {  	_ =	shalt  }
0x5f: {  	_ =	shalt  }
0x60: {  	_ =	shalt  }
0x61: {  	_ =	shalt  }
0x62: {  	_ =	shalt  }
0x63: {  	_ =	shalt  }
0x64: {  	_ =	shalt  }
0x65: {  	_ =	shalt  }
0x66: {  	_ =	shalt  }
0x67: {  	_ =	shalt  }
0x68: {  	_ =	shalt  }
0x69: {  	_ =	shalt  }
0x6a: {  	_ =	shalt  }
0x6b: {  	_ =	shalt  }
0x6c: {  	_ =	shalt  }
0x6d: {  	_ =	shalt  }
0x6e: {  	_ =	shalt  }
0x6f: {  	_ =	shalt  }
0x70: {  	_ =	shalt  }
0x71: {  	_ =	shalt  }
0x72: {  	_ =	shalt  }
0x73: {  	_ =	shalt  }
0x74: {  	_ =	shalt  }
0x75: {  	_ =	shalt  }
0x76: {  	_ =	shalt  }
0x77: {  	_ =	shalt  }
0x78: {  	_ =	shalt  }
0x79: {  	_ =	shalt  }
0x7a: {  	_ =	shalt  }
0x7b: {  	_ =	shalt  }
0x7c: {  	_ =	shalt  }
0x7d: {  	_ =	shalt  }
0x7e: {  	_ =	shalt  }
0x7f: {  	_ =	shalt  }
0x80: {  	_ =	shalt  }
0x81: {  	_ =	shalt  }
0x82: {  	_ =	shalt  }
0x83: {  	_ =	shalt  }
0x84: {  	_ =	shalt  }
0x85: {  	_ =	shalt  }
0x86: {  	_ =	shalt  }
0x87: {  	_ =	shalt  }
.Lfunc_end0:
.L_simem_size_0:
called_computation.1_lowered:
.L_overlay_start_0:
0x88: {  	s2 =	sld [smem:$0x3FD9]  }
0x89: {  	s3 =	sld [smem:$0x3FFE];
	_ =	sdelay $0x1  }
0x8a: {  	s1 =	srdreg.scid  }
0x8b: {  	s0 =	sand.u32 $0x1, s1  }
0x8c: {  	s17 =	sshll.u32 s0, $0xA;
	s2 =	sadd.s32 s3, s2  }
0x8d: {  	s2 =	sadd.s32 s2, s17  }
0x8e: {  	[smem:$0x3FC2] =	sst s2  }
0x8f: {  	_ = 	snop  }
0x90: {  	s2 =	sld [smem:$0x3FD0];
	(tm) =	ssettm $0x1  }
0x91: {  	s18 =	sld [smem:$0x3FFB];
	_ =	sdelay $0x3  }
0x92: {  	_ =	strace s18  }
0x93: {  	s3 =	sld [smem:$0x3FFC];
	_ =	sdelay $0x3  }
0x94: {  	_ =	strace s3  }
0x95: {  	s3 =	sld [smem:$0x3FFD];
	_ =	sdelay $0x3  }
0x96: {  	_ =	strace s3  }
0x97: {  	_ =	strace $0x8FFFFFFF  }
0x98: {  	s19 =	sld [smem:$0x3FDB];
	_ =	sdelay $0x1  }
0x99: {  	s4 =	simm.s32 $_scs_section_size  }
0x9a: {  	s5 =	simm.s32 $_size__tile_overlayer_lowered;
	s6 =	simm.s32 $_tile_overlayer_lowered  }
0x9b: {  	s22 =	simm.s32 $0x1BFF;
	s21 =	sshll.u32 s6, $0x1;
	s3 =	sadd.s32 s4, s19  }
0x9c: {  	s7 =	simm.s32 $0x0;
	s20 =	sshll.u32 s5, $0x1;
	s5 =	sadd.s32 s21, s3  }
0x9d: {  	[timem:s7], [sflag:s22] =	dma.local [hbm:s5], s20  }
0x9e: {  	_ =	swait.ge [sflag:s22], s20  }
0x9f: {  	s4 =	ssub.s32 $0x0, s20;
	[sflag:s22] =	ssyncset.done $0x0  }
0xa0: {  	[sflag:s22] =	ssyncadd.s32 s4;
	_ =	sdelay $0x1  }
0xa1: {  	s23 =	simm.s32 $0x1B8B  }
0xa2: {  	_ =	swait.ge [sflag:s23], $0x1  }
0xa3: {  	[sflag:s23] =	ssyncset.done $0x0  }
0xa4: {  	s25 =	simm.s32 $0x1B8E;
	s24 =	sld [smem:$0x3FFE];
	[sflag:s23] =	ssyncadd.s32 $0xFFFFFFFF  }
0xa5: {  	s26 =	simm.s32 $execute0_lowered;
	[smem:$0x3FD2] =	sst s25  }
0xa6: {  	s5 =	sshll.u32 s26, $0x1;
	_ =	strace $0x80000049;
	[dreg:$0x1] =	wrdreg $0xFFFFFFFF  }
0xa7: {  	s28 =	simm.s32 $_size_execute0_lowered;
	s3 =	sadd.s32 s3, s5;
	[dreg:$0x0] =	wrdreg $0x0  }
0xa8: {  	s5 =	sshll.u32 s28, $0x1;
	[dreg:$0x2] =	wrdreg s3  }
0xa9: {  	[dreg:$0x3] =	wrdreg s5  }
0xaa: {  	[dreg:$0x4] =	wrdreg $0xC0  }
0xab: {  	_ =	task [dreg:s7], $0x5FFFF  }
0xac: {  	[dreg:$0x1] =	wrdreg $0xFFFFFFFF  }
0xad: {  	[dreg:$0x0] =	wrdreg $0x60  }
0xae: {  	[dreg:$0x2] =	wrdreg s2  }
0xaf: {  	[dreg:$0x3] =	wrdreg s24  }
0xb0: {  	[dreg:$0x4] =	wrdreg $0x120000  }
0xb1: {  	[dreg:$0x5] =	wrdreg $0x9  }
0xb2: {  	_ =	task.clear_ibuf [dreg:s7], $0x6FFFF;
	_ =	strace $0x90000049  }
0xb3: {  	s29 =	simm.s32 $0x9;
	_ =	strace $0x8000004B  }
0xb4: {  	_ =	swait.ge [sflag:s29], $0x1  }
0xb5: {  	[sflag:s29] =	ssyncadd.s32 $0xFFFFFFFF  }
0xb6: {  	_ =	strace $0x9000004B  }
0xb7: {  	_ =	sfence  }
0xb8: {  	s30 =	sld [smem:$0x0];
	_ =	sdelay $0x2  }
0xb9: {  	s31 =	sshll.u32 s1, $0xD;
	s1 =	sshrl.u32 s1, $0x2  }
0xba: {  	s3 =	sand.u32 $0x4000, s31;
	s1 =	sadd.s32 s1, s30  }
0xbb: {  	s0 =	sor.u32 s3, s0;
	s1 =	sshll.u32 s1, $0x11  }
0xbc: {  	s0 =	sor.u32 s1, s0  }
0xbd: {  	s0 =	sadd.s32 $0x8F2B, s0  }
0xbe: {  	[sflag:s0] =	ssyncadd.remote.s32 $0x1  }
0xbf: {  	_ =	sfence.sel $0xFFFF  }
0xc0: {  	[dreg:$0x0] =	wrdreg $0xFFFFFFFF;
	(pc) =	sbr.abs _section_cstart, $3  }
0xc1: {  	[dreg:$0x1] =	wrdreg $0xFFFFFFFF  }
0xc2: {  	_ =	task.clear_ibuf [dreg:s7], $0x2FFFF;
	_ =	strace $0x9FFFFFFF  }
0xc3: {  	(tm) =	ssettm $0x7FFFFFFF  }
tec
execute0_lowered:
.L_overlay_start_1:
0x0: {  	(tag) =	ssettag $0x1  }
0x1: {  	s1 =	rddreg [dreg:$0x0]  }
0x2: {  	s6 =	rddreg [dreg:$0x1];
	s0 =	stileid.u32  }
0x3: {  	s2 =	srdreg.scid;
	s3 =	rddreg [dreg:$0x2]  }
0x4: {  	s4 =	simm.s32 $0x0;
	s14 =	simm.s32 $0x2;
	s15 =	simm.s32 $0x3  }
0x5: {  	s16 =	simm.s32 $0x80;
	s17 =	simm.s32 $0xA000;
	s18 =	simm.s32 $0xE000  }
0x6: {  	s19 =	simm.s32 $0x4;
	s20 =	simm.s32 $0x9D80;
	s5 =	smul.u32 $0xA00, s0  }
0x7: {  	s21 =	simm.s32 $0x4E00;
	s22 =	simm.s32 $0x9E00;
	s9 =	smul.u32 $0x1400, s0  }
0x8: {  	s7 =	sand.u32 $0x1, s2;
	s2 =	rddreg [dreg:$0x3];
	s29 =	smul.u32 $0x29000, s0  }
0x9: {  	s25 =	simm.s32 $0x5;
	[smem:$0x7FF] =	sst s4;
	s12 =	smul.u32 $0x28000, s0  }
0xa: {  	s23 =	sshll.u32 s0, $0x6;
	s8 =	smul.u32 $0x14000, s7;
	_ =	strace $0x8000004A  }
0xb: {  	s26 =	smul.u32 $0xA000, s7;
	s28 =	ssub.s32 $0x2, s7;
	s10 =	sadd.s32 s5, s6  }
0xc: {  	s5 =	sadd.s32 $0x1F800, s6;
	s7 =	sshrl.u32 s28, $0x1;
	s30 =	sshrl.u32 s12, $0x2  }
0xd: {  	s8 =	sadd.s32 s9, s8;
	s9 =	sadd.s32 s26, s10;
	s13 =	ssub.s32 s28, s7  }
0xe: {  	s24 =	sadd.s32 s30, s3;
	s26 =	simm.s32 $0x0;
	s11 =	sadd.s32 s8, s6  }
0xf: {  	s6 =	sadd.s32 $0x1800, s10;
	s7 =	sadd.s32 $0xB800, s9;
	s8 =	sshrl.u32 s29, $0x2  }
0x10: {  	s10 =	smax.u32 s13, $0x1;
	s13 =	simm.s32 $0x1;
	s24 =	sshrl.u32 s24, $0x3  }
0x11: {  	s31 =	sadd.s32 s8, s3;
	s8 =	sor.u32 $0x1C03, s23;
	s9 =	sadd.s32 $0x20E00, s11  }
0x12: {  	s11 =	simm.s32 $0x5000;
	s23 =	sor.u32 $0x1C05, s23;
	s12 =	sshrl.u32 s31, $0x3  }
.LBB2_1:
0x13: {  	[tilespmem:s4], [sflag:$0x1] =	stream.linear.gather [hbm4b:s6+s4], $0x4E80, $0x38;
	[tilespmem:$0x1C400] =	vst v63  }
0x14: {  	_ = 	snop  }
0x15: {  	[tilespmem:s11], [sflag:$0x2] =	stream.linear.gather [hbm4b:s7+s4], $0x4E80, $0x38;
	[tilespmem:$0x1C400] =	vst v63  }
0x16: {  	[spmem:s12], [sflag:s8] =	dma.local [hbm:s5], $0x1480  }
0x17: {  	_ =	swait.ge [sflag:s13], $0x4E80  }
0x18: {  	[sflag:s13] =	ssyncset.done $0x0  }
0x19: {  	[sflag:s13] =	ssyncadd.s32 $0xFFFFB180  }
0x1a: {  	_ =	swait.ge [sflag:s14], $0x4E80  }
0x1b: {  	[sflag:s14] =	ssyncset.done $0x0  }
0x1c: {  	[sflag:s14] =	ssyncadd.s32 $0xFFFFB180  }
0x1d: {  	_ =	swait.ge [sflag:s15], $0x1480  }
0x1e: {  	[sflag:s15] =	ssyncset.done $0x0  }
0x1f: {  	[sflag:s15] =	ssyncadd.s32 $0xFFFFEB80  }
0x20: {  	[bflag:$0x0] =	sbarrier.arrive $0xFFFF  }
0x21: {  	[tilespmem:s17], [sflag:$0x1] =	stream.indirect.gather [hbm4b:s1+s16], $0x80, s4, s16, $0xb8;
	[tilespmem:$0x1C400] =	vst v63  }
0x22: {  	_ =	swait.ge [sflag:s13], $0x4000  }
0x23: {  	[sflag:s13] =	ssyncset.done $0x0  }
0x24: {  	[sflag:s13] =	ssyncadd.s32 $0xFFFFC000  }
0x25: {  	[spmem:s3] =	stream.indirect.scatter.add.f32 [tilespmem:s17], [sflag:$0x3], $0x80, s11, s16, $0xb8;
	[tilespmem:$0x1C400] =	vst v63  }
0x26: {  	_ = 	snop  }
0x27: {  	[tilespmem:s18], [sflag:$0x2] =	stream.indirect.gather [hbm4b:s1+s16], $0x80, s16, s16, $0xb8;
	[tilespmem:$0x1C400] =	vst v63  }
0x28: {  	_ =	swait.ge [sflag:s14], $0x4000  }
0x29: {  	[sflag:s14] =	ssyncset.done $0x0  }
0x2a: {  	s28 =	simm.s32 $0x5080;
	[sflag:s14] =	ssyncadd.s32 $0xFFFFC000  }
0x2b: {  	[spmem:s3] =	stream.indirect.scatter.add.f32 [tilespmem:s18], [sflag:$0x4], $0x80, s28, s16, $0xb8;
	[tilespmem:$0x1C400] =	vst v63  }
0x2c: {  	_ =	swait.ge [sflag:s15], $0x4000  }
0x2d: {  	[sflag:s15] =	ssyncset.done $0x0  }
0x2e: {  	s28 =	simm.s32 $0x100;
	[sflag:s15] =	ssyncadd.s32 $0xFFFFC000  }
0x2f: {  	[tilespmem:s17], [sflag:$0x1] =	stream.indirect.gather [hbm4b:s1+s16], $0x80, s28, s16, $0xb8;
	[tilespmem:$0x1C400] =	vst v63  }
0x30: {  	_ =	swait.ge [sflag:s13], $0x4000  }
0x31: {  	[sflag:s13] =	ssyncset.done $0x0  }
0x32: {  	s28 =	simm.s32 $0x5100;
	[sflag:s13] =	ssyncadd.s32 $0xFFFFC000  }
0x33: {  	[spmem:s3] =	stream.indirect.scatter.add.f32 [tilespmem:s17], [sflag:$0x3], $0x80, s28, s16, $0xb8;
	[tilespmem:$0x1C400] =	vst v63  }
0x34: {  	_ =	swait.ge [sflag:s19], $0x4000  }
0x35: {  	[sflag:s19] =	ssyncset.done $0x0  }
0x36: {  	s29 =	simm.s32 $0x180;
	s28 =	simm.s32 $0xFFFED000;
	[sflag:s19] =	ssyncadd.s32 $0xFFFFC000  }
.LBB2_2:
0x37: {  	[tilespmem:s18], [sflag:$0x2] =	stream.indirect.gather [hbm4b:s1+s16], $0x80, s29, s16, $0xb8;
	[tilespmem:$0x1C400] =	vst v63  }
0x38: {  	s29 =	smov.u32 s28  }
0x39: {  	p0 =	sne.s32 s28, $0xFFFFFC00;
	s28 =	sadd.s32 $0x400, s28;
	_ =	swait.ge [sflag:s14], $0x4000  }
0x3a: {  	s29 =	sshra.s32 s29, $0x2;
	[sflag:s14] =	ssyncset.done $0x0  }
0x3b: {  	s30 =	sadd.s32 $0x9D80, s29;
	[sflag:s14] =	ssyncadd.s32 $0xFFFFC000  }
0x3c: {  	[spmem:s3] =	stream.indirect.scatter.add.f32 [tilespmem:s18], [sflag:$0x4], $0x80, s30, s16, $0xb8;
	[tilespmem:$0x1C400] =	vst v63  }
0x3d: {  	_ =	swait.ge [sflag:s15], $0x4000  }
0x3e: {  	[sflag:s15] =	ssyncset.done $0x0  }
0x3f: {  	s30 =	sadd.s32 $0x4E00, s29;
	[sflag:s15] =	ssyncadd.s32 $0xFFFFC000  }
0x40: {  	[tilespmem:s17], [sflag:$0x1] =	stream.indirect.gather [hbm4b:s1+s16], $0x80, s30, s16, $0xb8;
	[tilespmem:$0x1C400] =	vst v63  }
0x41: {  	_ =	swait.ge [sflag:s13], $0x4000  }
0x42: {  	[sflag:s13] =	ssyncset.done $0x0  }
.Ltmp0:
0x43: {  	s30 =	sadd.s32 $0x9E00, s29;
	[sflag:s13] =	ssyncadd.s32 $0xFFFFC000;
	(pc) =	sbr.rel @p0 .LBB2_2-.Ltmp0, $4  }
0x44: {  	[spmem:s3] =	stream.indirect.scatter.add.f32 [tilespmem:s17], [sflag:$0x3], $0x80, s30, s16, $0xb8;
	[tilespmem:$0x1C400] =	vst v63  }
0x45: {  	_ =	swait.ge [sflag:s19], $0x4000  }
0x46: {  	[sflag:s19] =	ssyncset.done $0x0  }
0x47: {  	s29 =	sadd.s32 $0x4E80, s29;
	[sflag:s19] =	ssyncadd.s32 $0xFFFFC000  }
0x48: {  	[tilespmem:s18], [sflag:$0x2] =	stream.indirect.gather [hbm4b:s1+s16], $0x80, s29, s16, $0xb8;
	[tilespmem:$0x1C400] =	vst v63  }
0x49: {  	_ =	swait.ge [sflag:s14], $0x4000  }
0x4a: {  	[sflag:s14] =	ssyncset.done $0x0  }
0x4b: {  	[sflag:s14] =	ssyncadd.s32 $0xFFFFC000  }
0x4c: {  	[spmem:s3] =	stream.indirect.scatter.add.f32 [tilespmem:s18], [sflag:$0x4], $0x80, s20, s16, $0xb8;
	[tilespmem:$0x1C400] =	vst v63  }
0x4d: {  	_ =	swait.ge [sflag:s15], $0x4000  }
0x4e: {  	[sflag:s15] =	ssyncset.done $0x0  }
0x4f: {  	[sflag:s15] =	ssyncadd.s32 $0xFFFFC000  }
0x50: {  	[tilespmem:s17], [sflag:$0x1] =	stream.indirect.gather [hbm4b:s1+s16], $0x80, s21, s16, $0xb8;
	[tilespmem:$0x1C400] =	vst v63  }
0x51: {  	_ =	swait.ge [sflag:s13], $0x4000  }
0x52: {  	[sflag:s13] =	ssyncset.done $0x0  }
0x53: {  	[sflag:s13] =	ssyncadd.s32 $0xFFFFC000  }
0x54: {  	[spmem:s3] =	stream.indirect.scatter.add.f32 [tilespmem:s17], [sflag:$0x3], $0x80, s22, s16, $0xb8;
	[tilespmem:$0x1C400] =	vst v63  }
0x55: {  	_ =	swait.ge [sflag:s19], $0x4000  }
0x56: {  	[sflag:s19] =	ssyncset.done $0x0  }
0x57: {  	[sflag:s19] =	ssyncadd.s32 $0xFFFFC000  }
0x58: {  	_ =	swait.ge [sflag:s15], $0x4000  }
0x59: {  	s26 =	sadd.s32 $0x1, s26;
	[sflag:s15] =	ssyncset.done $0x0  }
0x5a: {  	p0 =	sne.s32 s26, s10;
	[sflag:s15] =	ssyncadd.s32 $0xFFFFC000  }
.Ltmp1:
0x5b: {  	[bflag:$0x0] =	sbarrier.arrive $0xFFFF;
	(pc) =	sbr.rel @p0 .LBB2_1-.Ltmp1, $4  }
0x5c: {  	[hbm:s9], [sflag:s23] =	dma.local [spmem:s24], $0x1400  }
0x5d: {  	_ =	swait.ge [sflag:s25], $0x1400  }
0x5e: {  	[sflag:s25] =	ssyncset.done $0x0  }
0x5f: {  	[sflag:s25] =	ssyncadd.s32 $0xFFFFEC00  }
0x60: {  	_ =	sfence.sel $0x180000  }
0x61: {  	[bflag:$0x0] =	sbarrier.arrive $0xFFFF  }
0x62: {  	p0 =	sne.s32 s0, $0x0;
	_ =	strace $0x9000004A  }
0x63: {  	s0 =	sadd.s32 @!p0 $0x100000, s2;
	[bflag:$0x2] =	sbarrier.arrive $0xFFFF  }
0x64: {  	[sflag:s0] =	ssyncadd.tile.s32 @!p0 $0x1;
	_ =	shalt  }
.Lfunc_end2:
_tile_overlayer_lowered:
.L_overlay_start_2:
0x65: {  	(tag) =	ssettag $0x2  }
0x66: {  	s0 =	rddreg [dreg:$0x0];
	s2 =	stileid.u32  }
0x67: {  	s1 =	rddreg [dreg:$0x1];
	p0 =	sne.s32 s2, $0x0  }
0x68: {  	s3 =	rddreg [dreg:$0x2];
	[bflag:$0x3] =	sbarrier.arrive $0xFFFF;
	s2 =	simm.s32 @!p0 $0x1C05  }
0x69: {  	[timem:s3], [sflag:s2] =	dma.local @!p0 [hbm:s0], s1  }
0x6a: {  	s0 =	simm.s32 @!p0 $0x5  }
0x6b: {  	_ =	swait.ge @!p0 [sflag:s0], s1  }
0x6c: {  	s1 =	ssub.s32 @!p0 $0x0, s1;
	[sflag:s0] =	ssyncset.done @!p0 $0x0  }
0x6d: {  	[sflag:s0] =	ssyncadd.s32 @!p0 s1  }
0x6e: {  	[bflag:$0x3] =	sbarrier.arrive $0xFFFF  }
0x6f: {  	_ =	shalt  }

// kernel: kernel.7.cloned.1.call-start
scs
__scs_entry_jumppad:
0x0: {  	(pc) =	sbr.rel $0x88, $3  }
0x1: {  	(tag) =	ssettag $0x0;
	lr =	simm.s32 $0x1  }
0x2: {  	[smem:$0x3F9B] =	sst lr;
	_ =	strace $0xD0000000  }
0x3: {  	_ = 	snop  }
0x4: {  	_ = 	snop  }
0x5: {  	_ = 	snop  }
0x6: {  	_ = 	snop  }
0x7: {  	_ = 	snop  }
__scs_overlays_trampoline_lowered:
0x8: {  	[smem:$0x3FAA] =	sst s0  }
0x9: {  	[smem:$0x3FAB] =	sst s1  }
0xa: {  	[smem:$0x3FAC] =	sst s2  }
0xb: {  	[smem:$0x3FAD] =	sst s3  }
0xc: {  	[smem:$0x3FAE] =	sst s4  }
0xd: {  	[smem:$0x3FAF] =	sst s5  }
0xe: {  	[smem:$0x3FB0] =	sst s6  }
0xf: {  	[smem:$0x3FB1] =	sst s7  }
0x10: {  	[smem:$0x3FB2] =	sst s8  }
0x11: {  	[smem:$0x3FB3] =	sst s9;
	s0 =	simm.s32 @!p0 $0x0  }
0x12: {  	s1 =	sld [smem:$0x3F99];
	s0 =	simm.s32 @p0 $0x1  }
0x13: {  	[smem:$0x3FB4] =	sst s0;
	s0 =	simm.s32 @!p1 $0x0  }
0x14: {  	s2 =	sld [smem:$0x3F98];
	s0 =	simm.s32 @p1 $0x1  }
0x15: {  	[smem:$0x3FB5] =	sst s0;
	s0 =	simm.s32 @!p2 $0x0  }
0x16: {  	s3 =	sld [smem:$0x3FDB];
	s0 =	simm.s32 @p2 $0x1  }
0x17: {  	s4 =	simm.s32 $0x1BF5;
	[smem:$0x3FB7] =	sst s0  }
0x18: {  	s0 =	sld [smem:$0x3F9A];
	_ =	swait.ge [sflag:s4], $0x0  }
0x19: {  	s7 =	sld [smem:$0x3F9B]  }
0x1a: {  	s8 =	sadd.s32 $0xFFFFE003, lr  }
0x1b: {  	s9 =	sadd.s32 $0xFFFFFEF7, lr;
	s5 =	simm.s32 $0xFFFFFFFF;
	p2 =	slt.u32 s8, $0xFFFFF086  }
0x1c: {  	p1 =	slt.u32 s9, $0xF7A;
	s5 =	simm.s32 @!p2 $0x0  }
0x1d: {  	s5 =	simm.s32 @p1 $0x1;
	p0 =	seq.s32 s7, s2  }
0x1e: {  	s7 =	smul.u32 @!p0 $0xF7A, s2;
	p2 =	seq.s32 @!p0 s5, $0x0  }
0x1f: {  	s9 =	smul.u32 $0xF7A, s1;
	s8 =	simm.s32 @!p0 $0x1BF5;
	p2 =	por !p2, p0  }
0x20: {  	[sflag:s8] =	ssyncset.s32 @!p0 $0xFFFFF086;
	s6 =	sadd.s32 @!p0 s3, s7;
	s7 =	simm.s32 @!p0 $0x108  }
0x21: {  	s3 =	sadd.s32 s3, s9;
	s6 =	sadd.s32 @!p0 $0x88, s6;
	s7 =	simm.s32 @p2 $0x1082  }
0x22: {  	[simem:s7], [sflag:s8] =	dma.local @!p0 [hbm:s6], $0xF7A  }
0x23: {  	s9 =	sor.u32 $0xD0000000, s2;
	s6 =	simm.s32 $0x108;
	_ =	swait.ge @!p0 [sflag:s8], $0x0  }
0x24: {  	s3 =	sadd.s32 $0x88, s3;
	s6 =	simm.s32 @!p1 $0x1082;
	[sflag:s4] =	ssyncset.s32 $0xFFFFF086  }
0x25: {  	[simem:s6], [sflag:s4] =	dma.local [hbm:s3], $0xF7A  }
0x26: {  	[smem:$0x3F9B] =	sst s1;
	(tag) =	ssettag s2;
	_ =	strace s9  }
0x27: {  	s1 =	sld [smem:$0x3FAB]  }
0x28: {  	s2 =	sld [smem:$0x3FAC]  }
0x29: {  	s4 =	sld [smem:$0x3FAE]  }
0x2a: {  	p0 =	seq.s32 s5, $0x0;
	s5 =	sld [smem:$0x3FAF]  }
0x2b: {  	s6 =	sld [smem:$0x3FB0]  }
0x2c: {  	s7 =	sld [smem:$0x3FB1]  }
0x2d: {  	s3 =	simm.s32 $0x108;
	s8 =	sld [smem:$0x3FB2]  }
0x2e: {  	s3 =	simm.s32 @!p0 $0x1082;
	s9 =	sld [smem:$0x3FB3]  }
0x2f: {  	lr =	sadd.s32 s0, s3;
	s0 =	sld [smem:$0x3FAA]  }
0x30: {  	s3 =	sld [smem:$0x3FAD]  }
0x31: {  	[smem:$0x3FB6] =	sst s10  }
0x32: {  	s10 =	sld [smem:$0x3FB4];
	_ =	sdelay $0x3  }
0x33: {  	p0 =	seq.s32 s10, $0x1;
	s10 =	sld [smem:$0x3FB6];
	_ =	sdelay $0x3  }
0x34: {  	[smem:$0x3FB6] =	sst s10  }
0x35: {  	s10 =	sld [smem:$0x3FB5];
	_ =	sdelay $0x3  }
0x36: {  	p1 =	seq.s32 s10, $0x1;
	s10 =	sld [smem:$0x3FB6];
	_ =	sdelay $0x3  }
0x37: {  	[smem:$0x3FB6] =	sst s10  }
0x38: {  	s10 =	sld [smem:$0x3FB7]  }
0x39: {  	_ = 	snop;
	(pc) =	sbr.ind lr, $3  }
0x3a: {  	_ = 	snop  }
0x3b: {  	_ = 	snop  }
0x3c: {  	p2 =	seq.s32 s10, $0x1;
	s10 =	sld [smem:$0x3FB6]  }
0x3d: {  	_ =	shalt  }
0x3e: {  	_ =	shalt  }
0x3f: {  	_ =	shalt  }
0x40: {  	_ =	shalt  }
0x41: {  	_ =	shalt  }
0x42: {  	_ =	shalt  }
0x43: {  	_ =	shalt  }
0x44: {  	_ =	shalt  }
0x45: {  	_ =	shalt  }
0x46: {  	_ =	shalt  }
0x47: {  	_ =	shalt  }
0x48: {  	_ =	shalt  }
0x49: {  	_ =	shalt  }
0x4a: {  	_ =	shalt  }
0x4b: {  	_ =	shalt  }
0x4c: {  	_ =	shalt  }
0x4d: {  	_ =	shalt  }
0x4e: {  	_ =	shalt  }
0x4f: {  	_ =	shalt  }
0x50: {  	_ =	shalt  }
0x51: {  	_ =	shalt  }
0x52: {  	_ =	shalt  }
0x53: {  	_ =	shalt  }
0x54: {  	_ =	shalt  }
0x55: {  	_ =	shalt  }
0x56: {  	_ =	shalt  }
0x57: {  	_ =	shalt  }
0x58: {  	_ =	shalt  }
0x59: {  	_ =	shalt  }
0x5a: {  	_ =	shalt  }
0x5b: {  	_ =	shalt  }
0x5c: {  	_ =	shalt  }
0x5d: {  	_ =	shalt  }
0x5e: {  	_ =	shalt  }
0x5f: {  	_ =	shalt  }
0x60: {  	_ =	shalt  }
0x61: {  	_ =	shalt  }
0x62: {  	_ =	shalt  }
0x63: {  	_ =	shalt  }
0x64: {  	_ =	shalt  }
0x65: {  	_ =	shalt  }
0x66: {  	_ =	shalt  }
0x67: {  	_ =	shalt  }
0x68: {  	_ =	shalt  }
0x69: {  	_ =	shalt  }
0x6a: {  	_ =	shalt  }
0x6b: {  	_ =	shalt  }
0x6c: {  	_ =	shalt  }
0x6d: {  	_ =	shalt  }
0x6e: {  	_ =	shalt  }
0x6f: {  	_ =	shalt  }
0x70: {  	_ =	shalt  }
0x71: {  	_ =	shalt  }
0x72: {  	_ =	shalt  }
0x73: {  	_ =	shalt  }
0x74: {  	_ =	shalt  }
0x75: {  	_ =	shalt  }
0x76: {  	_ =	shalt  }
0x77: {  	_ =	shalt  }
0x78: {  	_ =	shalt  }
0x79: {  	_ =	shalt  }
0x7a: {  	_ =	shalt  }
0x7b: {  	_ =	shalt  }
0x7c: {  	_ =	shalt  }
0x7d: {  	_ =	shalt  }
0x7e: {  	_ =	shalt  }
0x7f: {  	_ =	shalt  }
0x80: {  	_ =	shalt  }
0x81: {  	_ =	shalt  }
0x82: {  	_ =	shalt  }
0x83: {  	_ =	shalt  }
0x84: {  	_ =	shalt  }
0x85: {  	_ =	shalt  }
0x86: {  	_ =	shalt  }
0x87: {  	_ =	shalt  }
.Lfunc_end0:
.L_simem_size_0:
called_computation_lowered:
.L_overlay_start_0:
0x88: {  	s2 =	sld [smem:$0x3FD9]  }
0x89: {  	s3 =	sld [smem:$0x3FFE];
	_ =	sdelay $0x1  }
0x8a: {  	s1 =	srdreg.scid  }
0x8b: {  	s0 =	sand.u32 $0x1, s1  }
0x8c: {  	s17 =	sshll.u32 s0, $0xA;
	s2 =	sadd.s32 s3, s2  }
0x8d: {  	s2 =	sadd.s32 s2, s17  }
0x8e: {  	[smem:$0x3FC2] =	sst s2  }
0x8f: {  	_ = 	snop  }
0x90: {  	s2 =	sld [smem:$0x3FD0];
	(tm) =	ssettm $0x1  }
0x91: {  	s18 =	sld [smem:$0x3FFB];
	_ =	sdelay $0x3  }
0x92: {  	_ =	strace s18  }
0x93: {  	s3 =	sld [smem:$0x3FFC];
	_ =	sdelay $0x3  }
0x94: {  	_ =	strace s3  }
0x95: {  	s3 =	sld [smem:$0x3FFD];
	_ =	sdelay $0x3  }
0x96: {  	_ =	strace s3  }
0x97: {  	_ =	strace $0x8FFFFFFF  }
0x98: {  	s19 =	sld [smem:$0x3FDB];
	_ =	sdelay $0x1  }
0x99: {  	s4 =	simm.s32 $_scs_section_size  }
0x9a: {  	s5 =	simm.s32 $_size__tile_overlayer_lowered;
	s6 =	simm.s32 $_tile_overlayer_lowered  }
0x9b: {  	s22 =	simm.s32 $0x1BFF;
	s21 =	sshll.u32 s6, $0x1;
	s3 =	sadd.s32 s4, s19  }
0x9c: {  	s7 =	simm.s32 $0x0;
	s20 =	sshll.u32 s5, $0x1;
	s5 =	sadd.s32 s21, s3  }
0x9d: {  	[timem:s7], [sflag:s22] =	dma.local [hbm:s5], s20  }
0x9e: {  	_ =	swait.ge [sflag:s22], s20  }
0x9f: {  	s4 =	ssub.s32 $0x0, s20;
	[sflag:s22] =	ssyncset.done $0x0  }
0xa0: {  	[sflag:s22] =	ssyncadd.s32 s4;
	_ =	sdelay $0x1  }
0xa1: {  	s23 =	simm.s32 $0x1B8B  }
0xa2: {  	_ =	swait.ge [sflag:s23], $0x1  }
0xa3: {  	[sflag:s23] =	ssyncset.done $0x0  }
0xa4: {  	s25 =	simm.s32 $0x1B8E;
	s24 =	sld [smem:$0x3FFE];
	[sflag:s23] =	ssyncadd.s32 $0xFFFFFFFF  }
0xa5: {  	s26 =	simm.s32 $execute0_lowered;
	[smem:$0x3FD2] =	sst s25  }
0xa6: {  	s5 =	sshll.u32 s26, $0x1;
	_ =	strace $0x80000046;
	[dreg:$0x1] =	wrdreg $0xFFFFFFFF  }
0xa7: {  	s28 =	simm.s32 $_size_execute0_lowered;
	s3 =	sadd.s32 s3, s5;
	[dreg:$0x0] =	wrdreg $0x0  }
0xa8: {  	s5 =	sshll.u32 s28, $0x1;
	[dreg:$0x2] =	wrdreg s3  }
0xa9: {  	[dreg:$0x3] =	wrdreg s5  }
0xaa: {  	[dreg:$0x4] =	wrdreg $0xC0  }
0xab: {  	_ =	task [dreg:s7], $0x5FFFF  }
0xac: {  	[dreg:$0x1] =	wrdreg $0xFFFFFFFF  }
0xad: {  	[dreg:$0x0] =	wrdreg $0x60  }
0xae: {  	[dreg:$0x2] =	wrdreg s2  }
0xaf: {  	[dreg:$0x3] =	wrdreg s24  }
0xb0: {  	[dreg:$0x4] =	wrdreg $0x120000  }
0xb1: {  	[dreg:$0x5] =	wrdreg $0x9  }
0xb2: {  	_ =	task.clear_ibuf [dreg:s7], $0x6FFFF;
	_ =	strace $0x90000046  }
0xb3: {  	s29 =	simm.s32 $0x9;
	_ =	strace $0x80000048  }
0xb4: {  	_ =	swait.ge [sflag:s29], $0x1  }
0xb5: {  	[sflag:s29] =	ssyncadd.s32 $0xFFFFFFFF  }
0xb6: {  	_ =	strace $0x90000048  }
0xb7: {  	_ =	sfence  }
0xb8: {  	s30 =	sld [smem:$0x0];
	_ =	sdelay $0x2  }
0xb9: {  	s31 =	sshll.u32 s1, $0xD;
	s1 =	sshrl.u32 s1, $0x2  }
0xba: {  	s3 =	sand.u32 $0x4000, s31;
	s1 =	sadd.s32 s1, s30  }
0xbb: {  	s0 =	sor.u32 s3, s0;
	s1 =	sshll.u32 s1, $0x11  }
0xbc: {  	s0 =	sor.u32 s1, s0  }
0xbd: {  	s0 =	sadd.s32 $0x8F2B, s0  }
0xbe: {  	[sflag:s0] =	ssyncadd.remote.s32 $0x1  }
0xbf: {  	_ =	sfence.sel $0xFFFF  }
0xc0: {  	[dreg:$0x0] =	wrdreg $0xFFFFFFFF;
	(pc) =	sbr.abs _section_cstart, $3  }
0xc1: {  	[dreg:$0x1] =	wrdreg $0xFFFFFFFF  }
0xc2: {  	_ =	task.clear_ibuf [dreg:s7], $0x2FFFF;
	_ =	strace $0x9FFFFFFF  }
0xc3: {  	(tm) =	ssettm $0x7FFFFFFF  }
tec
execute0_lowered:
.L_overlay_start_1:
0x0: {  	(tag) =	ssettag $0x1  }
0x1: {  	s1 =	rddreg [dreg:$0x0]  }
0x2: {  	s6 =	rddreg [dreg:$0x1];
	s0 =	stileid.u32  }
0x3: {  	s2 =	srdreg.scid;
	s3 =	rddreg [dreg:$0x2]  }
0x4: {  	s4 =	simm.s32 $0x0;
	s14 =	simm.s32 $0x2;
	s15 =	simm.s32 $0x3  }
0x5: {  	s16 =	simm.s32 $0x80;
	s17 =	simm.s32 $0xA000;
	s18 =	simm.s32 $0xE000  }
0x6: {  	s19 =	simm.s32 $0x4;
	s20 =	simm.s32 $0x9D80;
	s5 =	smul.u32 $0xA00, s0  }
0x7: {  	s21 =	simm.s32 $0x4E00;
	s22 =	simm.s32 $0x9E00;
	s9 =	smul.u32 $0x1400, s0  }
0x8: {  	s7 =	sand.u32 $0x1, s2;
	s2 =	rddreg [dreg:$0x3];
	s29 =	smul.u32 $0x29000, s0  }
0x9: {  	s25 =	simm.s32 $0x5;
	[smem:$0x7FF] =	sst s4;
	s12 =	smul.u32 $0x28000, s0  }
0xa: {  	s23 =	sshll.u32 s0, $0x6;
	s8 =	smul.u32 $0x14000, s7;
	_ =	strace $0x80000047  }
0xb: {  	s26 =	smul.u32 $0xA000, s7;
	s28 =	ssub.s32 $0x2, s7;
	s10 =	sadd.s32 s5, s6  }
0xc: {  	s5 =	sadd.s32 $0x1F800, s6;
	s7 =	sshrl.u32 s28, $0x1;
	s30 =	sshrl.u32 s12, $0x2  }
0xd: {  	s8 =	sadd.s32 s9, s8;
	s9 =	sadd.s32 s26, s10;
	s13 =	ssub.s32 s28, s7  }
0xe: {  	s24 =	sadd.s32 s30, s3;
	s26 =	simm.s32 $0x0;
	s11 =	sadd.s32 s8, s6  }
0xf: {  	s6 =	sadd.s32 $0x1800, s10;
	s7 =	sadd.s32 $0xB800, s9;
	s8 =	sshrl.u32 s29, $0x2  }
0x10: {  	s10 =	smax.u32 s13, $0x1;
	s13 =	simm.s32 $0x1;
	s24 =	sshrl.u32 s24, $0x3  }
0x11: {  	s31 =	sadd.s32 s8, s3;
	s8 =	sor.u32 $0x1C03, s23;
	s9 =	sadd.s32 $0x20E00, s11  }
0x12: {  	s11 =	simm.s32 $0x5000;
	s23 =	sor.u32 $0x1C05, s23;
	s12 =	sshrl.u32 s31, $0x3  }
.LBB2_1:
0x13: {  	[tilespmem:s4], [sflag:$0x1] =	stream.linear.gather [hbm4b:s6+s4], $0x4E80, $0x38;
	[tilespmem:$0x1C400] =	vst v63  }
0x14: {  	_ = 	snop  }
0x15: {  	[tilespmem:s11], [sflag:$0x2] =	stream.linear.gather [hbm4b:s7+s4], $0x4E80, $0x38;
	[tilespmem:$0x1C400] =	vst v63  }
0x16: {  	[spmem:s12], [sflag:s8] =	dma.local [hbm:s5], $0x1480  }
0x17: {  	_ =	swait.ge [sflag:s13], $0x4E80  }
0x18: {  	[sflag:s13] =	ssyncset.done $0x0  }
0x19: {  	[sflag:s13] =	ssyncadd.s32 $0xFFFFB180  }
0x1a: {  	_ =	swait.ge [sflag:s14], $0x4E80  }
0x1b: {  	[sflag:s14] =	ssyncset.done $0x0  }
0x1c: {  	[sflag:s14] =	ssyncadd.s32 $0xFFFFB180  }
0x1d: {  	_ =	swait.ge [sflag:s15], $0x1480  }
0x1e: {  	[sflag:s15] =	ssyncset.done $0x0  }
0x1f: {  	[sflag:s15] =	ssyncadd.s32 $0xFFFFEB80  }
0x20: {  	[bflag:$0x0] =	sbarrier.arrive $0xFFFF  }
0x21: {  	[tilespmem:s17], [sflag:$0x1] =	stream.indirect.gather [hbm4b:s1+s16], $0x80, s4, s16, $0xb8;
	[tilespmem:$0x1C400] =	vst v63  }
0x22: {  	_ =	swait.ge [sflag:s13], $0x4000  }
0x23: {  	[sflag:s13] =	ssyncset.done $0x0  }
0x24: {  	[sflag:s13] =	ssyncadd.s32 $0xFFFFC000  }
0x25: {  	[spmem:s3] =	stream.indirect.scatter.add.f32 [tilespmem:s17], [sflag:$0x3], $0x80, s11, s16, $0xb8;
	[tilespmem:$0x1C400] =	vst v63  }
0x26: {  	_ = 	snop  }
0x27: {  	[tilespmem:s18], [sflag:$0x2] =	stream.indirect.gather [hbm4b:s1+s16], $0x80, s16, s16, $0xb8;
	[tilespmem:$0x1C400] =	vst v63  }
0x28: {  	_ =	swait.ge [sflag:s14], $0x4000  }
0x29: {  	[sflag:s14] =	ssyncset.done $0x0  }
0x2a: {  	s28 =	simm.s32 $0x5080;
	[sflag:s14] =	ssyncadd.s32 $0xFFFFC000  }
0x2b: {  	[spmem:s3] =	stream.indirect.scatter.add.f32 [tilespmem:s18], [sflag:$0x4], $0x80, s28, s16, $0xb8;
	[tilespmem:$0x1C400] =	vst v63  }
0x2c: {  	_ =	swait.ge [sflag:s15], $0x4000  }
0x2d: {  	[sflag:s15] =	ssyncset.done $0x0  }
0x2e: {  	s28 =	simm.s32 $0x100;
	[sflag:s15] =	ssyncadd.s32 $0xFFFFC000  }
0x2f: {  	[tilespmem:s17], [sflag:$0x1] =	stream.indirect.gather [hbm4b:s1+s16], $0x80, s28, s16, $0xb8;
	[tilespmem:$0x1C400] =	vst v63  }
0x30: {  	_ =	swait.ge [sflag:s13], $0x4000  }
0x31: {  	[sflag:s13] =	ssyncset.done $0x0  }
0x32: {  	s28 =	simm.s32 $0x5100;
	[sflag:s13] =	ssyncadd.s32 $0xFFFFC000  }
0x33: {  	[spmem:s3] =	stream.indirect.scatter.add.f32 [tilespmem:s17], [sflag:$0x3], $0x80, s28, s16, $0xb8;
	[tilespmem:$0x1C400] =	vst v63  }
0x34: {  	_ =	swait.ge [sflag:s19], $0x4000  }
0x35: {  	[sflag:s19] =	ssyncset.done $0x0  }
0x36: {  	s29 =	simm.s32 $0x180;
	s28 =	simm.s32 $0xFFFED000;
	[sflag:s19] =	ssyncadd.s32 $0xFFFFC000  }
.LBB2_2:
0x37: {  	[tilespmem:s18], [sflag:$0x2] =	stream.indirect.gather [hbm4b:s1+s16], $0x80, s29, s16, $0xb8;
	[tilespmem:$0x1C400] =	vst v63  }
0x38: {  	s29 =	smov.u32 s28  }
0x39: {  	p0 =	sne.s32 s28, $0xFFFFFC00;
	s28 =	sadd.s32 $0x400, s28;
	_ =	swait.ge [sflag:s14], $0x4000  }
0x3a: {  	s29 =	sshra.s32 s29, $0x2;
	[sflag:s14] =	ssyncset.done $0x0  }
0x3b: {  	s30 =	sadd.s32 $0x9D80, s29;
	[sflag:s14] =	ssyncadd.s32 $0xFFFFC000  }
0x3c: {  	[spmem:s3] =	stream.indirect.scatter.add.f32 [tilespmem:s18], [sflag:$0x4], $0x80, s30, s16, $0xb8;
	[tilespmem:$0x1C400] =	vst v63  }
0x3d: {  	_ =	swait.ge [sflag:s15], $0x4000  }
0x3e: {  	[sflag:s15] =	ssyncset.done $0x0  }
0x3f: {  	s30 =	sadd.s32 $0x4E00, s29;
	[sflag:s15] =	ssyncadd.s32 $0xFFFFC000  }
0x40: {  	[tilespmem:s17], [sflag:$0x1] =	stream.indirect.gather [hbm4b:s1+s16], $0x80, s30, s16, $0xb8;
	[tilespmem:$0x1C400] =	vst v63  }
0x41: {  	_ =	swait.ge [sflag:s13], $0x4000  }
0x42: {  	[sflag:s13] =	ssyncset.done $0x0  }
.Ltmp0:
0x43: {  	s30 =	sadd.s32 $0x9E00, s29;
	[sflag:s13] =	ssyncadd.s32 $0xFFFFC000;
	(pc) =	sbr.rel @p0 .LBB2_2-.Ltmp0, $4  }
0x44: {  	[spmem:s3] =	stream.indirect.scatter.add.f32 [tilespmem:s17], [sflag:$0x3], $0x80, s30, s16, $0xb8;
	[tilespmem:$0x1C400] =	vst v63  }
0x45: {  	_ =	swait.ge [sflag:s19], $0x4000  }
0x46: {  	[sflag:s19] =	ssyncset.done $0x0  }
0x47: {  	s29 =	sadd.s32 $0x4E80, s29;
	[sflag:s19] =	ssyncadd.s32 $0xFFFFC000  }
0x48: {  	[tilespmem:s18], [sflag:$0x2] =	stream.indirect.gather [hbm4b:s1+s16], $0x80, s29, s16, $0xb8;
	[tilespmem:$0x1C400] =	vst v63  }
0x49: {  	_ =	swait.ge [sflag:s14], $0x4000  }
0x4a: {  	[sflag:s14] =	ssyncset.done $0x0  }
0x4b: {  	[sflag:s14] =	ssyncadd.s32 $0xFFFFC000  }
0x4c: {  	[spmem:s3] =	stream.indirect.scatter.add.f32 [tilespmem:s18], [sflag:$0x4], $0x80, s20, s16, $0xb8;
	[tilespmem:$0x1C400] =	vst v63  }
0x4d: {  	_ =	swait.ge [sflag:s15], $0x4000  }
0x4e: {  	[sflag:s15] =	ssyncset.done $0x0  }
0x4f: {  	[sflag:s15] =	ssyncadd.s32 $0xFFFFC000  }
0x50: {  	[tilespmem:s17], [sflag:$0x1] =	stream.indirect.gather [hbm4b:s1+s16], $0x80, s21, s16, $0xb8;
	[tilespmem:$0x1C400] =	vst v63  }
0x51: {  	_ =	swait.ge [sflag:s13], $0x4000  }
0x52: {  	[sflag:s13] =	ssyncset.done $0x0  }
0x53: {  	[sflag:s13] =	ssyncadd.s32 $0xFFFFC000  }
0x54: {  	[spmem:s3] =	stream.indirect.scatter.add.f32 [tilespmem:s17], [sflag:$0x3], $0x80, s22, s16, $0xb8;
	[tilespmem:$0x1C400] =	vst v63  }
0x55: {  	_ =	swait.ge [sflag:s19], $0x4000  }
0x56: {  	[sflag:s19] =	ssyncset.done $0x0  }
0x57: {  	[sflag:s19] =	ssyncadd.s32 $0xFFFFC000  }
0x58: {  	_ =	swait.ge [sflag:s15], $0x4000  }
0x59: {  	s26 =	sadd.s32 $0x1, s26;
	[sflag:s15] =	ssyncset.done $0x0  }
0x5a: {  	p0 =	sne.s32 s26, s10;
	[sflag:s15] =	ssyncadd.s32 $0xFFFFC000  }
.Ltmp1:
0x5b: {  	[bflag:$0x0] =	sbarrier.arrive $0xFFFF;
	(pc) =	sbr.rel @p0 .LBB2_1-.Ltmp1, $4  }
0x5c: {  	[hbm:s9], [sflag:s23] =	dma.local [spmem:s24], $0x1400  }
0x5d: {  	_ =	swait.ge [sflag:s25], $0x1400  }
0x5e: {  	[sflag:s25] =	ssyncset.done $0x0  }
0x5f: {  	[sflag:s25] =	ssyncadd.s32 $0xFFFFEC00  }
0x60: {  	_ =	sfence.sel $0x180000  }
0x61: {  	[bflag:$0x0] =	sbarrier.arrive $0xFFFF  }
0x62: {  	p0 =	sne.s32 s0, $0x0;
	_ =	strace $0x90000047  }
0x63: {  	s0 =	sadd.s32 @!p0 $0x100000, s2;
	[bflag:$0x2] =	sbarrier.arrive $0xFFFF  }
0x64: {  	[sflag:s0] =	ssyncadd.tile.s32 @!p0 $0x1;
	_ =	shalt  }
.Lfunc_end2:
_tile_overlayer_lowered:
.L_overlay_start_2:
0x65: {  	(tag) =	ssettag $0x2  }
0x66: {  	s0 =	rddreg [dreg:$0x0];
	s2 =	stileid.u32  }
0x67: {  	s1 =	rddreg [dreg:$0x1];
	p0 =	sne.s32 s2, $0x0  }
0x68: {  	s3 =	rddreg [dreg:$0x2];
	[bflag:$0x3] =	sbarrier.arrive $0xFFFF;
	s2 =	simm.s32 @!p0 $0x1C05  }
0x69: {  	[timem:s3], [sflag:s2] =	dma.local @!p0 [hbm:s0], s1  }
0x6a: {  	s0 =	simm.s32 @!p0 $0x5  }
0x6b: {  	_ =	swait.ge @!p0 [sflag:s0], s1  }
0x6c: {  	s1 =	ssub.s32 @!p0 $0x0, s1;
	[sflag:s0] =	ssyncset.done @!p0 $0x0  }
0x6d: {  	[sflag:s0] =	ssyncadd.s32 @!p0 s1  }
0x6e: {  	[bflag:$0x3] =	sbarrier.arrive $0xFFFF  }
0x6f: {  	_ =	shalt  }

</sc_bundles>
